<compile_context>
chip_gen: v7x
topology: tpu7x:2x2x1
jax: 0.10.2.dev20260603
libtpu: 0.0.44.dev20260713+nightly
codegen_flags: <defaults>
</compile_context>

<pallas_src>
import functools

import jax
import jax.numpy as jnp
from jax import lax
from jax.experimental import pallas as pl
from jax.experimental.pallas import tpu as pltpu
from jax.experimental.pallas import tpu_sc as plsc

_NUM_EMB = 1024

_info = plsc.get_sparse_core_info()
_NC, _NS, _L = _info.num_cores, _info.num_subcores, _info.num_lanes
_NW = _NC * _NS


def _vq_body(x_ref, e2_ref, idx_ref, loss_ref,
             loss_acc, iota_scr, *, n_steps, n_total):
    b = pl.program_id(0)

    x_t = x_ref[0]
    e2 = e2_ref[...]

    @pl.when(b == 0)
    def _mk_iota():
        iota_scr[...] = lax.broadcasted_iota(
            jnp.int32, iota_scr.shape, 1).astype(jnp.float32)

    xsq = jnp.sum(x_t * x_t, axis=1, keepdims=True)
    esq = 0.25 * jnp.sum(e2 * e2, axis=0, keepdims=True)
    scores = jnp.dot(x_t, e2, preferred_element_type=jnp.float32)
    dist = (xsq + scores) + esq

    m = jnp.min(dist, axis=1, keepdims=True)
    idx_f = jnp.min(jnp.where(dist == m, iota_scr[...], 2048.0),
                    axis=1, keepdims=True)
    idx_ref[0] = idx_f.astype(jnp.int32)

    part = jnp.sum(m)

    @pl.when(b == 0)
    def _init():
        loss_acc[0, 0] = part

    @pl.when(b > 0)
    def _acc():
        loss_acc[0, 0] += part

    @pl.when(b == n_steps - 1)
    def _fin():
        loss_ref[0, 0] = loss_acc[0, 0] / n_total


def _tc_distance_argmin(x_t, em2):
    B, hw, C = x_t.shape
    body = functools.partial(_vq_body, n_steps=B,
                             n_total=float(B * hw * C))
    return pl.pallas_call(
        body,
        grid=(B,),
        in_specs=[
            pl.BlockSpec((1, hw, C), lambda b: (b, 0, 0)),
            pl.BlockSpec((C, _NUM_EMB), lambda b: (0, 0)),
        ],
        out_specs=[
            pl.BlockSpec((1, hw, 1), lambda b: (b, 0, 0)),
            pl.BlockSpec((1, 1), lambda b: (0, 0),
                         memory_space=pltpu.MemorySpace.SMEM),
        ],
        out_shape=[
            jax.ShapeDtypeStruct((B, hw, 1), jnp.int32),
            jax.ShapeDtypeStruct((1, 1), jnp.float32),
        ],
        scratch_shapes=[
            pltpu.SMEM((1, 1), jnp.float32),
            pltpu.VMEM((1024, _NUM_EMB), jnp.float32),
        ],
    )(x_t, em2)


def _sc_gather_bincount(table_t, idx_flat, n_tok):
    b_per_w = n_tok // _NW
    mesh = plsc.VectorSubcoreMesh(core_axis_name="c", subcore_axis_name="s")

    @functools.partial(
        pl.kernel, mesh=mesh,
        compiler_params=pltpu.CompilerParams(use_tc_tiling_on_sc=False),
        out_type=[
            jax.ShapeDtypeStruct((n_tok, table_t.shape[1]), jnp.float32),
            jax.ShapeDtypeStruct((_NC, _NUM_EMB), jnp.float32),
        ],
        scratch_types=[
            pltpu.VMEM((b_per_w,), jnp.int32),
            pltpu.VMEM((b_per_w, table_t.shape[1]), jnp.float32),
            pltpu.VMEM((b_per_w,), jnp.float32),
            pltpu.VMEM((_NUM_EMB,), jnp.float32),
            pltpu.VMEM_SHARED((_NUM_EMB,), jnp.float32),
            pltpu.SemaphoreType.DMA,
        ],
    )
    def k(table_hbm, idx_hbm, out_hbm, cnt_hbm,
          idx_v, rows_v, ones_v, zer_v, shared_cnt, sem):
        cid = lax.axis_index("c")
        sid = lax.axis_index("s")
        wid = sid * _NC + cid
        base = wid * b_per_w
        pltpu.sync_copy(idx_hbm.at[pl.ds(base, b_per_w)], idx_v)
        pltpu.async_copy(table_hbm.at[idx_v], rows_v, sem).wait()
        pltpu.sync_copy(rows_v, out_hbm.at[pl.ds(base, b_per_w)])

        ones = jnp.ones((_L,), jnp.float32)
        zers = jnp.zeros((_L,), jnp.float32)
        for j in range(b_per_w // _L):
            ones_v[pl.ds(j * _L, _L)] = ones
        for j in range(_NUM_EMB // _L):
            zer_v[pl.ds(j * _L, _L)] = zers

        @pl.when(sid == 0)
        def _zero():
            pltpu.sync_copy(zer_v, shared_cnt)

        plsc.subcore_barrier()
        pltpu.sync_copy(ones_v, shared_cnt.at[idx_v], add=True)
        plsc.subcore_barrier()

        @pl.when(sid == 0)
        def _cout():
            pltpu.sync_copy(shared_cnt, cnt_hbm.at[cid])

    return k(table_t, idx_flat)


def _ent_body(cnt_ref, ent_ref, *, n_tokens):
    c = cnt_ref[...]
    tot = jnp.sum(c, axis=0, keepdims=True)
    probs = tot / jnp.float32(n_tokens)
    ent_ref[0, 0] = -jnp.sum(probs * jnp.log(probs + 1e-10))


def _tc_entropy(cnt, n_tokens):
    return pl.pallas_call(
        functools.partial(_ent_body, n_tokens=n_tokens),
        out_specs=pl.BlockSpec(memory_space=pltpu.MemorySpace.SMEM),
        out_shape=jax.ShapeDtypeStruct((1, 1), jnp.float32),
    )(cnt)


def kernel(x, embedding_table):
    B, C, H, W = x.shape
    hw = H * W
    n_tokens = B * hw

    x_t = jnp.transpose(x.reshape(B, C, hw), (0, 2, 1))
    em2 = -2.0 * embedding_table
    table_t = embedding_table.T

    idx, loss = _tc_distance_argmin(x_t, em2)
    idx_flat = idx.reshape(n_tokens)

    rows, cnt = _sc_gather_bincount(table_t, idx_flat, n_tokens)
    ent = _tc_entropy(cnt, n_tokens)

    quantized = jnp.transpose(
        rows.reshape(B, hw, C), (0, 2, 1)).reshape(B, C, H, W)
    loss_s = loss[0, 0]
    return (quantized, loss_s, loss_s, ent[0, 0], idx.reshape(B, hw))

# --- scband reference (transcript-rebuilt; emitter-appended) ---
"""Pipeline reference for scband-vector-quantizer-34248069218960 (READ-ONLY COPY).

The authoritative reference and input builder live on the scoring server;
editing this copy changes nothing except your own understanding.
"""

import jax, jax.numpy as jnp
import numpy as np

EMBEDDING_DIM = 64
NUM_EMBEDDINGS = 1024


def setup_inputs(seed: int = 0) -> dict:
    key = jax.random.key(seed)
    k1, k2 = jax.random.split(key)
    x = jax.random.normal(k1, (16, EMBEDDING_DIM, 32, 32), dtype=jnp.float32)
    embedding_table = jax.random.uniform(
        k2, (EMBEDDING_DIM, NUM_EMBEDDINGS), minval=-0.5, maxval=0.5, dtype=jnp.float32
    )
    return {"x": x, "embedding_table": embedding_table}


def reference(x, embedding_table):
    B, C, H, W = x.shape
    flat_x = jnp.transpose(x, (0, 2, 3, 1)).reshape(-1, C)
    distances = (
        jnp.sum(flat_x ** 2, axis=1, keepdims=True)
        - 2.0 * flat_x @ embedding_table
        + jnp.sum(embedding_table ** 2, axis=0, keepdims=True)
    )
    encoding_indices = jnp.argmin(distances, axis=1)
    quantized = jnp.take(embedding_table.T, encoding_indices, axis=0).reshape(B, H, W, C)
    quantized_x = jnp.transpose(quantized, (0, 3, 1, 2))
    dictionary_loss = jnp.mean((jax.lax.stop_gradient(x) - quantized_x) ** 2)
    commitment_loss = jnp.mean((x - jax.lax.stop_gradient(quantized_x)) ** 2)
    quantized_st = x + jax.lax.stop_gradient(quantized_x - x)
    counts = jnp.bincount(encoding_indices, length=NUM_EMBEDDINGS)
    probs = counts / jnp.sum(counts)
    entropy = -jnp.sum(probs * jnp.log(probs + 1e-10))
    return (
        quantized_st,
        dictionary_loss,
        commitment_loss,
        entropy,
        encoding_indices.reshape(B, -1),
    )

if __name__ == "__main__":
    import jax
    _d = setup_inputs()
    print(jax.jit(kernel)(*tuple(_d.values())))

</pallas_src>

<mosaic_0001>
#map = affine_map<(d0, d1) -> (0, 0)>
#map1 = affine_map<(d0, d1) -> (0)>
module attributes {stable_mosaic.version = 14 : i64} {
  func.func @k(%arg0: i32, %arg1: i32, %arg2: memref<1024x64xf32, #tpu.memory_space<hbm>>, %arg3: memref<16384xi32, #tpu.memory_space<hbm>>, %arg4: memref<16384x64xf32, #tpu.memory_space<hbm>>, %arg5: memref<2x1024xf32, #tpu.memory_space<hbm>>, %arg6: memref<512xi32, #tpu.memory_space<vmem>>, %arg7: memref<512x64xf32, #tpu.memory_space<vmem>>, %arg8: memref<512xf32, #tpu.memory_space<vmem>>, %arg9: memref<1024xf32, #tpu.memory_space<vmem>>, %arg10: memref<1024xf32, #tpu.memory_space<vmem_shared>>, %arg11: memref<!tpu.dma_semaphore, #tpu.memory_space<semaphore_mem>>) attributes {dimension_semantics = [#tpu.dimension_semantics<core_parallel>, #tpu.dimension_semantics<subcore_parallel>], iteration_bounds = array<i64: 2, 16>, scalar_prefetch = 0 : i64, scratch_operands = 6 : i64, tpu.core_type = #tpu.core_type<sc_vector_subcore>, window_params = [{transform_indices = #map}, {transform_indices = #map1}, {transform_indices = #map}, {transform_indices = #map}]} {
    %mul3A = arith.constant 2 : i32
    %mul3A_0 = arith.muli %arg1, %mul3A : i32
    %add3A = arith.addi %mul3A_0, %arg0 : i32
    %mul3A_1 = arith.constant 512 : i32
    %mul3A_2 = arith.muli %add3A, %mul3A_1 : i32
    "tpu.region"() ({
      %run_scoped3A = tpu.sem_alloc : memref<!tpu.dma_semaphore, #tpu.memory_space<semaphore_mem>>
      %dma_start3A_401 = tpu.memref_slice %arg3[%mul3A_2] : memref<16384xi32, #tpu.memory_space<hbm>> -> memref<512xi32, #tpu.memory_space<hbm>>
      %dma_start3A_402 = tpu.memref_slice %arg3[%mul3A_2] : memref<16384xi32, #tpu.memory_space<hbm>> -> memref<512xi32, #tpu.memory_space<hbm>>
      tpu.enqueue_dma source(%dma_start3A_402 : memref<512xi32, #tpu.memory_space<hbm>>) target(%arg6 : memref<512xi32, #tpu.memory_space<vmem>>) target_semaphore(%run_scoped3A : memref<!tpu.dma_semaphore, #tpu.memory_space<semaphore_mem>>)
      %dma_wait3A_403 = tpu.memref_slice %arg3[%mul3A_2] : memref<16384xi32, #tpu.memory_space<hbm>> -> memref<512xi32, #tpu.memory_space<hbm>>
      %dma_wait3A_404 = tpu.memref_slice %arg3[%mul3A_2] : memref<16384xi32, #tpu.memory_space<hbm>> -> memref<512xi32, #tpu.memory_space<hbm>>
      tpu.wait_dma2 semaphore(%run_scoped3A : memref<!tpu.dma_semaphore, #tpu.memory_space<semaphore_mem>>) src(%dma_wait3A_404 : memref<512xi32, #tpu.memory_space<hbm>>) dst(%arg6 : memref<512xi32, #tpu.memory_space<vmem>>)
      tpu.yield
    }) : () -> ()
    %dma_start3A = arith.constant 0 : i32
    %dma_start3A_3 = arith.constant 0 : i32
    %dma_start3A_4 = tpu.memref_slice %arg2[%dma_start3A, %dma_start3A_3] : memref<1024x64xf32, #tpu.memory_space<hbm>> -> memref<1024x64xf32, #tpu.memory_space<hbm>>
    tpu.enqueue_indirect_dma source(%dma_start3A_4 : memref<1024x64xf32, #tpu.memory_space<hbm>>) target(%arg7 : memref<512x64xf32, #tpu.memory_space<vmem>>) offsets(%arg6 : memref<512xi32, #tpu.memory_space<vmem>>) semaphore(%arg11 : memref<!tpu.dma_semaphore, #tpu.memory_space<semaphore_mem>>)
    %dma_wait3A = arith.constant 0 : i32
    %dma_wait3A_5 = arith.constant 0 : i32
    %dma_wait3A_6 = tpu.memref_slice %arg2[%dma_wait3A, %dma_wait3A_5] : memref<1024x64xf32, #tpu.memory_space<hbm>> -> memref<1024x64xf32, #tpu.memory_space<hbm>>
    tpu.wait_indirect_dma semaphore(%arg11 : memref<!tpu.dma_semaphore, #tpu.memory_space<semaphore_mem>>) src(%dma_wait3A_6 : memref<1024x64xf32, #tpu.memory_space<hbm>>) dst(%arg7 : memref<512x64xf32, #tpu.memory_space<vmem>>)
    "tpu.region"() ({
      %run_scoped3A = tpu.sem_alloc : memref<!tpu.dma_semaphore, #tpu.memory_space<semaphore_mem>>
      %dma_start3A_401 = arith.constant 0 : i32
      %dma_start3A_402 = tpu.memref_slice %arg4[%mul3A_2, %dma_start3A_401] : memref<16384x64xf32, #tpu.memory_space<hbm>> -> memref<512x64xf32, #tpu.memory_space<hbm>>
      %dma_start3A_403 = arith.constant 0 : i32
      %dma_start3A_404 = tpu.memref_slice %arg4[%mul3A_2, %dma_start3A_403] : memref<16384x64xf32, #tpu.memory_space<hbm>> -> memref<512x64xf32, #tpu.memory_space<hbm>>
      tpu.enqueue_dma source(%arg7 : memref<512x64xf32, #tpu.memory_space<vmem>>) target(%dma_start3A_404 : memref<512x64xf32, #tpu.memory_space<hbm>>) target_semaphore(%run_scoped3A : memref<!tpu.dma_semaphore, #tpu.memory_space<semaphore_mem>>)
      %dma_wait3A_405 = arith.constant 0 : i32
      %dma_wait3A_406 = tpu.memref_slice %arg4[%mul3A_2, %dma_wait3A_405] : memref<16384x64xf32, #tpu.memory_space<hbm>> -> memref<512x64xf32, #tpu.memory_space<hbm>>
      %dma_wait3A_407 = arith.constant 0 : i32
      %dma_wait3A_408 = tpu.memref_slice %arg4[%mul3A_2, %dma_wait3A_407] : memref<16384x64xf32, #tpu.memory_space<hbm>> -> memref<512x64xf32, #tpu.memory_space<hbm>>
      tpu.wait_dma2 semaphore(%run_scoped3A : memref<!tpu.dma_semaphore, #tpu.memory_space<semaphore_mem>>) src(%arg7 : memref<512x64xf32, #tpu.memory_space<vmem>>) dst(%dma_wait3A_408 : memref<512x64xf32, #tpu.memory_space<hbm>>)
      tpu.yield
    }) : () -> ()
    %broadcast_in_dim3A = arith.constant 1.000000e+00 : f32
    %broadcast_in_dim3A_7 = vector.broadcast %broadcast_in_dim3A : f32 to vector<16xf32>
    %broadcast_in_dim3A_8 = arith.constant 0.000000e+00 : f32
    %broadcast_in_dim3A_9 = vector.broadcast %broadcast_in_dim3A_8 : f32 to vector<16xf32>
    %swap3A = arith.constant 0 : index
    %swap3A_10 = tpu.vector_load %arg8[%swap3A] {strides = array<i32>} : memref<512xf32, #tpu.memory_space<vmem>>, vector<16xf32>,
    %swap3A_11 = vector.shape_cast %swap3A_10 : vector<16xf32> to vector<16xf32>
    %swap3A_12 = vector.shape_cast %broadcast_in_dim3A_7 : vector<16xf32> to vector<16xf32>
    tpu.vector_store %arg8[%swap3A], %swap3A_12 {strides = array<i32>} : memref<512xf32, #tpu.memory_space<vmem>>, vector<16xf32>,
    %swap3A_13 = arith.constant 16 : index
    %swap3A_14 = tpu.vector_load %arg8[%swap3A_13] {strides = array<i32>} : memref<512xf32, #tpu.memory_space<vmem>>, vector<16xf32>,
    %swap3A_15 = vector.shape_cast %swap3A_14 : vector<16xf32> to vector<16xf32>
    %swap3A_16 = vector.shape_cast %broadcast_in_dim3A_7 : vector<16xf32> to vector<16xf32>
    tpu.vector_store %arg8[%swap3A_13], %swap3A_16 {strides = array<i32>} : memref<512xf32, #tpu.memory_space<vmem>>, vector<16xf32>,
    %swap3A_17 = arith.constant 32 : index
    %swap3A_18 = tpu.vector_load %arg8[%swap3A_17] {strides = array<i32>} : memref<512xf32, #tpu.memory_space<vmem>>, vector<16xf32>,
    %swap3A_19 = vector.shape_cast %swap3A_18 : vector<16xf32> to vector<16xf32>
    %swap3A_20 = vector.shape_cast %broadcast_in_dim3A_7 : vector<16xf32> to vector<16xf32>
    tpu.vector_store %arg8[%swap3A_17], %swap3A_20 {strides = array<i32>} : memref<512xf32, #tpu.memory_space<vmem>>, vector<16xf32>,
    %swap3A_21 = arith.constant 48 : index
    %swap3A_22 = tpu.vector_load %arg8[%swap3A_21] {strides = array<i32>} : memref<512xf32, #tpu.memory_space<vmem>>, vector<16xf32>,
    %swap3A_23 = vector.shape_cast %swap3A_22 : vector<16xf32> to vector<16xf32>
    %swap3A_24 = vector.shape_cast %broadcast_in_dim3A_7 : vector<16xf32> to vector<16xf32>
    tpu.vector_store %arg8[%swap3A_21], %swap3A_24 {strides = array<i32>} : memref<512xf32, #tpu.memory_space<vmem>>, vector<16xf32>,
    %swap3A_25 = arith.constant 64 : index
    %swap3A_26 = tpu.vector_load %arg8[%swap3A_25] {strides = array<i32>} : memref<512xf32, #tpu.memory_space<vmem>>, vector<16xf32>,
    %swap3A_27 = vector.shape_cast %swap3A_26 : vector<16xf32> to vector<16xf32>
    %swap3A_28 = vector.shape_cast %broadcast_in_dim3A_7 : vector<16xf32> to vector<16xf32>
    tpu.vector_store %arg8[%swap3A_25], %swap3A_28 {strides = array<i32>} : memref<512xf32, #tpu.memory_space<vmem>>, vector<16xf32>,
    %swap3A_29 = arith.constant 80 : index
    %swap3A_30 = tpu.vector_load %arg8[%swap3A_29] {strides = array<i32>} : memref<512xf32, #tpu.memory_space<vmem>>, vector<16xf32>,
    %swap3A_31 = vector.shape_cast %swap3A_30 : vector<16xf32> to vector<16xf32>
    %swap3A_32 = vector.shape_cast %broadcast_in_dim3A_7 : vector<16xf32> to vector<16xf32>
    tpu.vector_store %arg8[%swap3A_29], %swap3A_32 {strides = array<i32>} : memref<512xf32, #tpu.memory_space<vmem>>, vector<16xf32>,
    %swap3A_33 = arith.constant 96 : index
    %swap3A_34 = tpu.vector_load %arg8[%swap3A_33] {strides = array<i32>} : memref<512xf32, #tpu.memory_space<vmem>>, vector<16xf32>,
    %swap3A_35 = vector.shape_cast %swap3A_34 : vector<16xf32> to vector<16xf32>
    %swap3A_36 = vector.shape_cast %broadcast_in_dim3A_7 : vector<16xf32> to vector<16xf32>
    tpu.vector_store %arg8[%swap3A_33], %swap3A_36 {strides = array<i32>} : memref<512xf32, #tpu.memory_space<vmem>>, vector<16xf32>,
    %swap3A_37 = arith.constant 112 : index
    %swap3A_38 = tpu.vector_load %arg8[%swap3A_37] {strides = array<i32>} : memref<512xf32, #tpu.memory_space<vmem>>, vector<16xf32>,
    %swap3A_39 = vector.shape_cast %swap3A_38 : vector<16xf32> to vector<16xf32>
    %swap3A_40 = vector.shape_cast %broadcast_in_dim3A_7 : vector<16xf32> to vector<16xf32>
    tpu.vector_store %arg8[%swap3A_37], %swap3A_40 {strides = array<i32>} : memref<512xf32, #tpu.memory_space<vmem>>, vector<16xf32>,
    %swap3A_41 = arith.constant 128 : index
    %swap3A_42 = tpu.vector_load %arg8[%swap3A_41] {strides = array<i32>} : memref<512xf32, #tpu.memory_space<vmem>>, vector<16xf32>,
    %swap3A_43 = vector.shape_cast %swap3A_42 : vector<16xf32> to vector<16xf32>
    %swap3A_44 = vector.shape_cast %broadcast_in_dim3A_7 : vector<16xf32> to vector<16xf32>
    tpu.vector_store %arg8[%swap3A_41], %swap3A_44 {strides = array<i32>} : memref<512xf32, #tpu.memory_space<vmem>>, vector<16xf32>,
    %swap3A_45 = arith.constant 144 : index
    %swap3A_46 = tpu.vector_load %arg8[%swap3A_45] {strides = array<i32>} : memref<512xf32, #tpu.memory_space<vmem>>, vector<16xf32>,
    %swap3A_47 = vector.shape_cast %swap3A_46 : vector<16xf32> to vector<16xf32>
    %swap3A_48 = vector.shape_cast %broadcast_in_dim3A_7 : vector<16xf32> to vector<16xf32>
    tpu.vector_store %arg8[%swap3A_45], %swap3A_48 {strides = array<i32>} : memref<512xf32, #tpu.memory_space<vmem>>, vector<16xf32>,
    %swap3A_49 = arith.constant 160 : index
    %swap3A_50 = tpu.vector_load %arg8[%swap3A_49] {strides = array<i32>} : memref<512xf32, #tpu.memory_space<vmem>>, vector<16xf32>,
    %swap3A_51 = vector.shape_cast %swap3A_50 : vector<16xf32> to vector<16xf32>
    %swap3A_52 = vector.shape_cast %broadcast_in_dim3A_7 : vector<16xf32> to vector<16xf32>
    tpu.vector_store %arg8[%swap3A_49], %swap3A_52 {strides = array<i32>} : memref<512xf32, #tpu.memory_space<vmem>>, vector<16xf32>,
    %swap3A_53 = arith.constant 176 : index
    %swap3A_54 = tpu.vector_load %arg8[%swap3A_53] {strides = array<i32>} : memref<512xf32, #tpu.memory_space<vmem>>, vector<16xf32>,
    %swap3A_55 = vector.shape_cast %swap3A_54 : vector<16xf32> to vector<16xf32>
    %swap3A_56 = vector.shape_cast %broadcast_in_dim3A_7 : vector<16xf32> to vector<16xf32>
    tpu.vector_store %arg8[%swap3A_53], %swap3A_56 {strides = array<i32>} : memref<512xf32, #tpu.memory_space<vmem>>, vector<16xf32>,
    %swap3A_57 = arith.constant 192 : index
    %swap3A_58 = tpu.vector_load %arg8[%swap3A_57] {strides = array<i32>} : memref<512xf32, #tpu.memory_space<vmem>>, vector<16xf32>,
    %swap3A_59 = vector.shape_cast %swap3A_58 : vector<16xf32> to vector<16xf32>
    %swap3A_60 = vector.shape_cast %broadcast_in_dim3A_7 : vector<16xf32> to vector<16xf32>
    tpu.vector_store %arg8[%swap3A_57], %swap3A_60 {strides = array<i32>} : memref<512xf32, #tpu.memory_space<vmem>>, vector<16xf32>,
    %swap3A_61 = arith.constant 208 : index
    %swap3A_62 = tpu.vector_load %arg8[%swap3A_61] {strides = array<i32>} : memref<512xf32, #tpu.memory_space<vmem>>, vector<16xf32>,
    %swap3A_63 = vector.shape_cast %swap3A_62 : vector<16xf32> to vector<16xf32>
    %swap3A_64 = vector.shape_cast %broadcast_in_dim3A_7 : vector<16xf32> to vector<16xf32>
    tpu.vector_store %arg8[%swap3A_61], %swap3A_64 {strides = array<i32>} : memref<512xf32, #tpu.memory_space<vmem>>, vector<16xf32>,
    %swap3A_65 = arith.constant 224 : index
    %swap3A_66 = tpu.vector_load %arg8[%swap3A_65] {strides = array<i32>} : memref<512xf32, #tpu.memory_space<vmem>>, vector<16xf32>,
    %swap3A_67 = vector.shape_cast %swap3A_66 : vector<16xf32> to vector<16xf32>
    %swap3A_68 = vector.shape_cast %broadcast_in_dim3A_7 : vector<16xf32> to vector<16xf32>
    tpu.vector_store %arg8[%swap3A_65], %swap3A_68 {strides = array<i32>} : memref<512xf32, #tpu.memory_space<vmem>>, vector<16xf32>,
    %swap3A_69 = arith.constant 240 : index
    %swap3A_70 = tpu.vector_load %arg8[%swap3A_69] {strides = array<i32>} : memref<512xf32, #tpu.memory_space<vmem>>, vector<16xf32>,
    %swap3A_71 = vector.shape_cast %swap3A_70 : vector<16xf32> to vector<16xf32>
    %swap3A_72 = vector.shape_cast %broadcast_in_dim3A_7 : vector<16xf32> to vector<16xf32>
    tpu.vector_store %arg8[%swap3A_69], %swap3A_72 {strides = array<i32>} : memref<512xf32, #tpu.memory_space<vmem>>, vector<16xf32>,
    %swap3A_73 = arith.constant 256 : index
    %swap3A_74 = tpu.vector_load %arg8[%swap3A_73] {strides = array<i32>} : memref<512xf32, #tpu.memory_space<vmem>>, vector<16xf32>,
    %swap3A_75 = vector.shape_cast %swap3A_74 : vector<16xf32> to vector<16xf32>
    %swap3A_76 = vector.shape_cast %broadcast_in_dim3A_7 : vector<16xf32> to vector<16xf32>
    tpu.vector_store %arg8[%swap3A_73], %swap3A_76 {strides = array<i32>} : memref<512xf32, #tpu.memory_space<vmem>>, vector<16xf32>,
    %swap3A_77 = arith.constant 272 : index
    %swap3A_78 = tpu.vector_load %arg8[%swap3A_77] {strides = array<i32>} : memref<512xf32, #tpu.memory_space<vmem>>, vector<16xf32>,
    %swap3A_79 = vector.shape_cast %swap3A_78 : vector<16xf32> to vector<16xf32>
    %swap3A_80 = vector.shape_cast %broadcast_in_dim3A_7 : vector<16xf32> to vector<16xf32>
    tpu.vector_store %arg8[%swap3A_77], %swap3A_80 {strides = array<i32>} : memref<512xf32, #tpu.memory_space<vmem>>, vector<16xf32>,
    %swap3A_81 = arith.constant 288 : index
    %swap3A_82 = tpu.vector_load %arg8[%swap3A_81] {strides = array<i32>} : memref<512xf32, #tpu.memory_space<vmem>>, vector<16xf32>,
    %swap3A_83 = vector.shape_cast %swap3A_82 : vector<16xf32> to vector<16xf32>
    %swap3A_84 = vector.shape_cast %broadcast_in_dim3A_7 : vector<16xf32> to vector<16xf32>
    tpu.vector_store %arg8[%swap3A_81], %swap3A_84 {strides = array<i32>} : memref<512xf32, #tpu.memory_space<vmem>>, vector<16xf32>,
    %swap3A_85 = arith.constant 304 : index
    %swap3A_86 = tpu.vector_load %arg8[%swap3A_85] {strides = array<i32>} : memref<512xf32, #tpu.memory_space<vmem>>, vector<16xf32>,
    %swap3A_87 = vector.shape_cast %swap3A_86 : vector<16xf32> to vector<16xf32>
    %swap3A_88 = vector.shape_cast %broadcast_in_dim3A_7 : vector<16xf32> to vector<16xf32>
    tpu.vector_store %arg8[%swap3A_85], %swap3A_88 {strides = array<i32>} : memref<512xf32, #tpu.memory_space<vmem>>, vector<16xf32>,
    %swap3A_89 = arith.constant 320 : index
    %swap3A_90 = tpu.vector_load %arg8[%swap3A_89] {strides = array<i32>} : memref<512xf32, #tpu.memory_space<vmem>>, vector<16xf32>,
    %swap3A_91 = vector.shape_cast %swap3A_90 : vector<16xf32> to vector<16xf32>
    %swap3A_92 = vector.shape_cast %broadcast_in_dim3A_7 : vector<16xf32> to vector<16xf32>
    tpu.vector_store %arg8[%swap3A_89], %swap3A_92 {strides = array<i32>} : memref<512xf32, #tpu.memory_space<vmem>>, vector<16xf32>,
    %swap3A_93 = arith.constant 336 : index
    %swap3A_94 = tpu.vector_load %arg8[%swap3A_93] {strides = array<i32>} : memref<512xf32, #tpu.memory_space<vmem>>, vector<16xf32>,
    %swap3A_95 = vector.shape_cast %swap3A_94 : vector<16xf32> to vector<16xf32>
    %swap3A_96 = vector.shape_cast %broadcast_in_dim3A_7 : vector<16xf32> to vector<16xf32>
    tpu.vector_store %arg8[%swap3A_93], %swap3A_96 {strides = array<i32>} : memref<512xf32, #tpu.memory_space<vmem>>, vector<16xf32>,
    %swap3A_97 = arith.constant 352 : index
    %swap3A_98 = tpu.vector_load %arg8[%swap3A_97] {strides = array<i32>} : memref<512xf32, #tpu.memory_space<vmem>>, vector<16xf32>,
    %swap3A_99 = vector.shape_cast %swap3A_98 : vector<16xf32> to vector<16xf32>
    %swap3A_100 = vector.shape_cast %broadcast_in_dim3A_7 : vector<16xf32> to vector<16xf32>
    tpu.vector_store %arg8[%swap3A_97], %swap3A_100 {strides = array<i32>} : memref<512xf32, #tpu.memory_space<vmem>>, vector<16xf32>,
    %swap3A_101 = arith.constant 368 : index
    %swap3A_102 = tpu.vector_load %arg8[%swap3A_101] {strides = array<i32>} : memref<512xf32, #tpu.memory_space<vmem>>, vector<16xf32>,
    %swap3A_103 = vector.shape_cast %swap3A_102 : vector<16xf32> to vector<16xf32>
    %swap3A_104 = vector.shape_cast %broadcast_in_dim3A_7 : vector<16xf32> to vector<16xf32>
    tpu.vector_store %arg8[%swap3A_101], %swap3A_104 {strides = array<i32>} : memref<512xf32, #tpu.memory_space<vmem>>, vector<16xf32>,
    %swap3A_105 = arith.constant 384 : index
    %swap3A_106 = tpu.vector_load %arg8[%swap3A_105] {strides = array<i32>} : memref<512xf32, #tpu.memory_space<vmem>>, vector<16xf32>,
    %swap3A_107 = vector.shape_cast %swap3A_106 : vector<16xf32> to vector<16xf32>
    %swap3A_108 = vector.shape_cast %broadcast_in_dim3A_7 : vector<16xf32> to vector<16xf32>
    tpu.vector_store %arg8[%swap3A_105], %swap3A_108 {strides = array<i32>} : memref<512xf32, #tpu.memory_space<vmem>>, vector<16xf32>,
    %swap3A_109 = arith.constant 400 : index
    %swap3A_110 = tpu.vector_load %arg8[%swap3A_109] {strides = array<i32>} : memref<512xf32, #tpu.memory_space<vmem>>, vector<16xf32>,
    %swap3A_111 = vector.shape_cast %swap3A_110 : vector<16xf32> to vector<16xf32>
    %swap3A_112 = vector.shape_cast %broadcast_in_dim3A_7 : vector<16xf32> to vector<16xf32>
    tpu.vector_store %arg8[%swap3A_109], %swap3A_112 {strides = array<i32>} : memref<512xf32, #tpu.memory_space<vmem>>, vector<16xf32>,
    %swap3A_113 = arith.constant 416 : index
    %swap3A_114 = tpu.vector_load %arg8[%swap3A_113] {strides = array<i32>} : memref<512xf32, #tpu.memory_space<vmem>>, vector<16xf32>,
    %swap3A_115 = vector.shape_cast %swap3A_114 : vector<16xf32> to vector<16xf32>
    %swap3A_116 = vector.shape_cast %broadcast_in_dim3A_7 : vector<16xf32> to vector<16xf32>
    tpu.vector_store %arg8[%swap3A_113], %swap3A_116 {strides = array<i32>} : memref<512xf32, #tpu.memory_space<vmem>>, vector<16xf32>,
    %swap3A_117 = arith.constant 432 : index
    %swap3A_118 = tpu.vector_load %arg8[%swap3A_117] {strides = array<i32>} : memref<512xf32, #tpu.memory_space<vmem>>, vector<16xf32>,
    %swap3A_119 = vector.shape_cast %swap3A_118 : vector<16xf32> to vector<16xf32>
    %swap3A_120 = vector.shape_cast %broadcast_in_dim3A_7 : vector<16xf32> to vector<16xf32>
    tpu.vector_store %arg8[%swap3A_117], %swap3A_120 {strides = array<i32>} : memref<512xf32, #tpu.memory_space<vmem>>, vector<16xf32>,
    %swap3A_121 = arith.constant 448 : index
    %swap3A_122 = tpu.vector_load %arg8[%swap3A_121] {strides = array<i32>} : memref<512xf32, #tpu.memory_space<vmem>>, vector<16xf32>,
    %swap3A_123 = vector.shape_cast %swap3A_122 : vector<16xf32> to vector<16xf32>
    %swap3A_124 = vector.shape_cast %broadcast_in_dim3A_7 : vector<16xf32> to vector<16xf32>
    tpu.vector_store %arg8[%swap3A_121], %swap3A_124 {strides = array<i32>} : memref<512xf32, #tpu.memory_space<vmem>>, vector<16xf32>,
    %swap3A_125 = arith.constant 464 : index
    %swap3A_126 = tpu.vector_load %arg8[%swap3A_125] {strides = array<i32>} : memref<512xf32, #tpu.memory_space<vmem>>, vector<16xf32>,
    %swap3A_127 = vector.shape_cast %swap3A_126 : vector<16xf32> to vector<16xf32>
    %swap3A_128 = vector.shape_cast %broadcast_in_dim3A_7 : vector<16xf32> to vector<16xf32>
    tpu.vector_store %arg8[%swap3A_125], %swap3A_128 {strides = array<i32>} : memref<512xf32, #tpu.memory_space<vmem>>, vector<16xf32>,
    %swap3A_129 = arith.constant 480 : index
    %swap3A_130 = tpu.vector_load %arg8[%swap3A_129] {strides = array<i32>} : memref<512xf32, #tpu.memory_space<vmem>>, vector<16xf32>,
    %swap3A_131 = vector.shape_cast %swap3A_130 : vector<16xf32> to vector<16xf32>
    %swap3A_132 = vector.shape_cast %broadcast_in_dim3A_7 : vector<16xf32> to vector<16xf32>
    tpu.vector_store %arg8[%swap3A_129], %swap3A_132 {strides = array<i32>} : memref<512xf32, #tpu.memory_space<vmem>>, vector<16xf32>,
    %swap3A_133 = arith.constant 496 : index
    %swap3A_134 = tpu.vector_load %arg8[%swap3A_133] {strides = array<i32>} : memref<512xf32, #tpu.memory_space<vmem>>, vector<16xf32>,
    %swap3A_135 = vector.shape_cast %swap3A_134 : vector<16xf32> to vector<16xf32>
    %swap3A_136 = vector.shape_cast %broadcast_in_dim3A_7 : vector<16xf32> to vector<16xf32>
    tpu.vector_store %arg8[%swap3A_133], %swap3A_136 {strides = array<i32>} : memref<512xf32, #tpu.memory_space<vmem>>, vector<16xf32>,
    %swap3A_137 = arith.constant 0 : index
    %swap3A_138 = tpu.vector_load %arg9[%swap3A_137] {strides = array<i32>} : memref<1024xf32, #tpu.memory_space<vmem>>, vector<16xf32>,
    %swap3A_139 = vector.shape_cast %swap3A_138 : vector<16xf32> to vector<16xf32>
    %swap3A_140 = vector.shape_cast %broadcast_in_dim3A_9 : vector<16xf32> to vector<16xf32>
    tpu.vector_store %arg9[%swap3A_137], %swap3A_140 {strides = array<i32>} : memref<1024xf32, #tpu.memory_space<vmem>>, vector<16xf32>,
    %swap3A_141 = arith.constant 16 : index
    %swap3A_142 = tpu.vector_load %arg9[%swap3A_141] {strides = array<i32>} : memref<1024xf32, #tpu.memory_space<vmem>>, vector<16xf32>,
    %swap3A_143 = vector.shape_cast %swap3A_142 : vector<16xf32> to vector<16xf32>
    %swap3A_144 = vector.shape_cast %broadcast_in_dim3A_9 : vector<16xf32> to vector<16xf32>
    tpu.vector_store %arg9[%swap3A_141], %swap3A_144 {strides = array<i32>} : memref<1024xf32, #tpu.memory_space<vmem>>, vector<16xf32>,
    %swap3A_145 = arith.constant 32 : index
    %swap3A_146 = tpu.vector_load %arg9[%swap3A_145] {strides = array<i32>} : memref<1024xf32, #tpu.memory_space<vmem>>, vector<16xf32>,
    %swap3A_147 = vector.shape_cast %swap3A_146 : vector<16xf32> to vector<16xf32>
    %swap3A_148 = vector.shape_cast %broadcast_in_dim3A_9 : vector<16xf32> to vector<16xf32>
    tpu.vector_store %arg9[%swap3A_145], %swap3A_148 {strides = array<i32>} : memref<1024xf32, #tpu.memory_space<vmem>>, vector<16xf32>,
    %swap3A_149 = arith.constant 48 : index
    %swap3A_150 = tpu.vector_load %arg9[%swap3A_149] {strides = array<i32>} : memref<1024xf32, #tpu.memory_space<vmem>>, vector<16xf32>,
    %swap3A_151 = vector.shape_cast %swap3A_150 : vector<16xf32> to vector<16xf32>
    %swap3A_152 = vector.shape_cast %broadcast_in_dim3A_9 : vector<16xf32> to vector<16xf32>
    tpu.vector_store %arg9[%swap3A_149], %swap3A_152 {strides = array<i32>} : memref<1024xf32, #tpu.memory_space<vmem>>, vector<16xf32>,
    %swap3A_153 = arith.constant 64 : index
    %swap3A_154 = tpu.vector_load %arg9[%swap3A_153] {strides = array<i32>} : memref<1024xf32, #tpu.memory_space<vmem>>, vector<16xf32>,
    %swap3A_155 = vector.shape_cast %swap3A_154 : vector<16xf32> to vector<16xf32>
    %swap3A_156 = vector.shape_cast %broadcast_in_dim3A_9 : vector<16xf32> to vector<16xf32>
    tpu.vector_store %arg9[%swap3A_153], %swap3A_156 {strides = array<i32>} : memref<1024xf32, #tpu.memory_space<vmem>>, vector<16xf32>,
    %swap3A_157 = arith.constant 80 : index
    %swap3A_158 = tpu.vector_load %arg9[%swap3A_157] {strides = array<i32>} : memref<1024xf32, #tpu.memory_space<vmem>>, vector<16xf32>,
    %swap3A_159 = vector.shape_cast %swap3A_158 : vector<16xf32> to vector<16xf32>
    %swap3A_160 = vector.shape_cast %broadcast_in_dim3A_9 : vector<16xf32> to vector<16xf32>
    tpu.vector_store %arg9[%swap3A_157], %swap3A_160 {strides = array<i32>} : memref<1024xf32, #tpu.memory_space<vmem>>, vector<16xf32>,
    %swap3A_161 = arith.constant 96 : index
    %swap3A_162 = tpu.vector_load %arg9[%swap3A_161] {strides = array<i32>} : memref<1024xf32, #tpu.memory_space<vmem>>, vector<16xf32>,
    %swap3A_163 = vector.shape_cast %swap3A_162 : vector<16xf32> to vector<16xf32>
    %swap3A_164 = vector.shape_cast %broadcast_in_dim3A_9 : vector<16xf32> to vector<16xf32>
    tpu.vector_store %arg9[%swap3A_161], %swap3A_164 {strides = array<i32>} : memref<1024xf32, #tpu.memory_space<vmem>>, vector<16xf32>,
    %swap3A_165 = arith.constant 112 : index
    %swap3A_166 = tpu.vector_load %arg9[%swap3A_165] {strides = array<i32>} : memref<1024xf32, #tpu.memory_space<vmem>>, vector<16xf32>,
    %swap3A_167 = vector.shape_cast %swap3A_166 : vector<16xf32> to vector<16xf32>
    %swap3A_168 = vector.shape_cast %broadcast_in_dim3A_9 : vector<16xf32> to vector<16xf32>
    tpu.vector_store %arg9[%swap3A_165], %swap3A_168 {strides = array<i32>} : memref<1024xf32, #tpu.memory_space<vmem>>, vector<16xf32>,
    %swap3A_169 = arith.constant 128 : index
    %swap3A_170 = tpu.vector_load %arg9[%swap3A_169] {strides = array<i32>} : memref<1024xf32, #tpu.memory_space<vmem>>, vector<16xf32>,
    %swap3A_171 = vector.shape_cast %swap3A_170 : vector<16xf32> to vector<16xf32>
    %swap3A_172 = vector.shape_cast %broadcast_in_dim3A_9 : vector<16xf32> to vector<16xf32>
    tpu.vector_store %arg9[%swap3A_169], %swap3A_172 {strides = array<i32>} : memref<1024xf32, #tpu.memory_space<vmem>>, vector<16xf32>,
    %swap3A_173 = arith.constant 144 : index
    %swap3A_174 = tpu.vector_load %arg9[%swap3A_173] {strides = array<i32>} : memref<1024xf32, #tpu.memory_space<vmem>>, vector<16xf32>,
    %swap3A_175 = vector.shape_cast %swap3A_174 : vector<16xf32> to vector<16xf32>
    %swap3A_176 = vector.shape_cast %broadcast_in_dim3A_9 : vector<16xf32> to vector<16xf32>
    tpu.vector_store %arg9[%swap3A_173], %swap3A_176 {strides = array<i32>} : memref<1024xf32, #tpu.memory_space<vmem>>, vector<16xf32>,
    %swap3A_177 = arith.constant 160 : index
    %swap3A_178 = tpu.vector_load %arg9[%swap3A_177] {strides = array<i32>} : memref<1024xf32, #tpu.memory_space<vmem>>, vector<16xf32>,
    %swap3A_179 = vector.shape_cast %swap3A_178 : vector<16xf32> to vector<16xf32>
    %swap3A_180 = vector.shape_cast %broadcast_in_dim3A_9 : vector<16xf32> to vector<16xf32>
    tpu.vector_store %arg9[%swap3A_177], %swap3A_180 {strides = array<i32>} : memref<1024xf32, #tpu.memory_space<vmem>>, vector<16xf32>,
    %swap3A_181 = arith.constant 176 : index
    %swap3A_182 = tpu.vector_load %arg9[%swap3A_181] {strides = array<i32>} : memref<1024xf32, #tpu.memory_space<vmem>>, vector<16xf32>,
    %swap3A_183 = vector.shape_cast %swap3A_182 : vector<16xf32> to vector<16xf32>
    %swap3A_184 = vector.shape_cast %broadcast_in_dim3A_9 : vector<16xf32> to vector<16xf32>
    tpu.vector_store %arg9[%swap3A_181], %swap3A_184 {strides = array<i32>} : memref<1024xf32, #tpu.memory_space<vmem>>, vector<16xf32>,
    %swap3A_185 = arith.constant 192 : index
    %swap3A_186 = tpu.vector_load %arg9[%swap3A_185] {strides = array<i32>} : memref<1024xf32, #tpu.memory_space<vmem>>, vector<16xf32>,
    %swap3A_187 = vector.shape_cast %swap3A_186 : vector<16xf32> to vector<16xf32>
    %swap3A_188 = vector.shape_cast %broadcast_in_dim3A_9 : vector<16xf32> to vector<16xf32>
    tpu.vector_store %arg9[%swap3A_185], %swap3A_188 {strides = array<i32>} : memref<1024xf32, #tpu.memory_space<vmem>>, vector<16xf32>,
    %swap3A_189 = arith.constant 208 : index
    %swap3A_190 = tpu.vector_load %arg9[%swap3A_189] {strides = array<i32>} : memref<1024xf32, #tpu.memory_space<vmem>>, vector<16xf32>,
    %swap3A_191 = vector.shape_cast %swap3A_190 : vector<16xf32> to vector<16xf32>
    %swap3A_192 = vector.shape_cast %broadcast_in_dim3A_9 : vector<16xf32> to vector<16xf32>
    tpu.vector_store %arg9[%swap3A_189], %swap3A_192 {strides = array<i32>} : memref<1024xf32, #tpu.memory_space<vmem>>, vector<16xf32>,
    %swap3A_193 = arith.constant 224 : index
    %swap3A_194 = tpu.vector_load %arg9[%swap3A_193] {strides = array<i32>} : memref<1024xf32, #tpu.memory_space<vmem>>, vector<16xf32>,
    %swap3A_195 = vector.shape_cast %swap3A_194 : vector<16xf32> to vector<16xf32>
    %swap3A_196 = vector.shape_cast %broadcast_in_dim3A_9 : vector<16xf32> to vector<16xf32>
    tpu.vector_store %arg9[%swap3A_193], %swap3A_196 {strides = array<i32>} : memref<1024xf32, #tpu.memory_space<vmem>>, vector<16xf32>,
    %swap3A_197 = arith.constant 240 : index
    %swap3A_198 = tpu.vector_load %arg9[%swap3A_197] {strides = array<i32>} : memref<1024xf32, #tpu.memory_space<vmem>>, vector<16xf32>,
    %swap3A_199 = vector.shape_cast %swap3A_198 : vector<16xf32> to vector<16xf32>
    %swap3A_200 = vector.shape_cast %broadcast_in_dim3A_9 : vector<16xf32> to vector<16xf32>
    tpu.vector_store %arg9[%swap3A_197], %swap3A_200 {strides = array<i32>} : memref<1024xf32, #tpu.memory_space<vmem>>, vector<16xf32>,
    %swap3A_201 = arith.constant 256 : index
    %swap3A_202 = tpu.vector_load %arg9[%swap3A_201] {strides = array<i32>} : memref<1024xf32, #tpu.memory_space<vmem>>, vector<16xf32>,
    %swap3A_203 = vector.shape_cast %swap3A_202 : vector<16xf32> to vector<16xf32>
    %swap3A_204 = vector.shape_cast %broadcast_in_dim3A_9 : vector<16xf32> to vector<16xf32>
    tpu.vector_store %arg9[%swap3A_201], %swap3A_204 {strides = array<i32>} : memref<1024xf32, #tpu.memory_space<vmem>>, vector<16xf32>,
    %swap3A_205 = arith.constant 272 : index
    %swap3A_206 = tpu.vector_load %arg9[%swap3A_205] {strides = array<i32>} : memref<1024xf32, #tpu.memory_space<vmem>>, vector<16xf32>,
    %swap3A_207 = vector.shape_cast %swap3A_206 : vector<16xf32> to vector<16xf32>
    %swap3A_208 = vector.shape_cast %broadcast_in_dim3A_9 : vector<16xf32> to vector<16xf32>
    tpu.vector_store %arg9[%swap3A_205], %swap3A_208 {strides = array<i32>} : memref<1024xf32, #tpu.memory_space<vmem>>, vector<16xf32>,
    %swap3A_209 = arith.constant 288 : index
    %swap3A_210 = tpu.vector_load %arg9[%swap3A_209] {strides = array<i32>} : memref<1024xf32, #tpu.memory_space<vmem>>, vector<16xf32>,
    %swap3A_211 = vector.shape_cast %swap3A_210 : vector<16xf32> to vector<16xf32>
    %swap3A_212 = vector.shape_cast %broadcast_in_dim3A_9 : vector<16xf32> to vector<16xf32>
    tpu.vector_store %arg9[%swap3A_209], %swap3A_212 {strides = array<i32>} : memref<1024xf32, #tpu.memory_space<vmem>>, vector<16xf32>,
    %swap3A_213 = arith.constant 304 : index
    %swap3A_214 = tpu.vector_load %arg9[%swap3A_213] {strides = array<i32>} : memref<1024xf32, #tpu.memory_space<vmem>>, vector<16xf32>,
    %swap3A_215 = vector.shape_cast %swap3A_214 : vector<16xf32> to vector<16xf32>
    %swap3A_216 = vector.shape_cast %broadcast_in_dim3A_9 : vector<16xf32> to vector<16xf32>
    tpu.vector_store %arg9[%swap3A_213], %swap3A_216 {strides = array<i32>} : memref<1024xf32, #tpu.memory_space<vmem>>, vector<16xf32>,
    %swap3A_217 = arith.constant 320 : index
    %swap3A_218 = tpu.vector_load %arg9[%swap3A_217] {strides = array<i32>} : memref<1024xf32, #tpu.memory_space<vmem>>, vector<16xf32>,
    %swap3A_219 = vector.shape_cast %swap3A_218 : vector<16xf32> to vector<16xf32>
    %swap3A_220 = vector.shape_cast %broadcast_in_dim3A_9 : vector<16xf32> to vector<16xf32>
    tpu.vector_store %arg9[%swap3A_217], %swap3A_220 {strides = array<i32>} : memref<1024xf32, #tpu.memory_space<vmem>>, vector<16xf32>,
    %swap3A_221 = arith.constant 336 : index
    %swap3A_222 = tpu.vector_load %arg9[%swap3A_221] {strides = array<i32>} : memref<1024xf32, #tpu.memory_space<vmem>>, vector<16xf32>,
    %swap3A_223 = vector.shape_cast %swap3A_222 : vector<16xf32> to vector<16xf32>
    %swap3A_224 = vector.shape_cast %broadcast_in_dim3A_9 : vector<16xf32> to vector<16xf32>
    tpu.vector_store %arg9[%swap3A_221], %swap3A_224 {strides = array<i32>} : memref<1024xf32, #tpu.memory_space<vmem>>, vector<16xf32>,
    %swap3A_225 = arith.constant 352 : index
    %swap3A_226 = tpu.vector_load %arg9[%swap3A_225] {strides = array<i32>} : memref<1024xf32, #tpu.memory_space<vmem>>, vector<16xf32>,
    %swap3A_227 = vector.shape_cast %swap3A_226 : vector<16xf32> to vector<16xf32>
    %swap3A_228 = vector.shape_cast %broadcast_in_dim3A_9 : vector<16xf32> to vector<16xf32>
    tpu.vector_store %arg9[%swap3A_225], %swap3A_228 {strides = array<i32>} : memref<1024xf32, #tpu.memory_space<vmem>>, vector<16xf32>,
    %swap3A_229 = arith.constant 368 : index
    %swap3A_230 = tpu.vector_load %arg9[%swap3A_229] {strides = array<i32>} : memref<1024xf32, #tpu.memory_space<vmem>>, vector<16xf32>,
    %swap3A_231 = vector.shape_cast %swap3A_230 : vector<16xf32> to vector<16xf32>
    %swap3A_232 = vector.shape_cast %broadcast_in_dim3A_9 : vector<16xf32> to vector<16xf32>
    tpu.vector_store %arg9[%swap3A_229], %swap3A_232 {strides = array<i32>} : memref<1024xf32, #tpu.memory_space<vmem>>, vector<16xf32>,
    %swap3A_233 = arith.constant 384 : index
    %swap3A_234 = tpu.vector_load %arg9[%swap3A_233] {strides = array<i32>} : memref<1024xf32, #tpu.memory_space<vmem>>, vector<16xf32>,
    %swap3A_235 = vector.shape_cast %swap3A_234 : vector<16xf32> to vector<16xf32>
    %swap3A_236 = vector.shape_cast %broadcast_in_dim3A_9 : vector<16xf32> to vector<16xf32>
    tpu.vector_store %arg9[%swap3A_233], %swap3A_236 {strides = array<i32>} : memref<1024xf32, #tpu.memory_space<vmem>>, vector<16xf32>,
    %swap3A_237 = arith.constant 400 : index
    %swap3A_238 = tpu.vector_load %arg9[%swap3A_237] {strides = array<i32>} : memref<1024xf32, #tpu.memory_space<vmem>>, vector<16xf32>,
    %swap3A_239 = vector.shape_cast %swap3A_238 : vector<16xf32> to vector<16xf32>
    %swap3A_240 = vector.shape_cast %broadcast_in_dim3A_9 : vector<16xf32> to vector<16xf32>
    tpu.vector_store %arg9[%swap3A_237], %swap3A_240 {strides = array<i32>} : memref<1024xf32, #tpu.memory_space<vmem>>, vector<16xf32>,
    %swap3A_241 = arith.constant 416 : index
    %swap3A_242 = tpu.vector_load %arg9[%swap3A_241] {strides = array<i32>} : memref<1024xf32, #tpu.memory_space<vmem>>, vector<16xf32>,
    %swap3A_243 = vector.shape_cast %swap3A_242 : vector<16xf32> to vector<16xf32>
    %swap3A_244 = vector.shape_cast %broadcast_in_dim3A_9 : vector<16xf32> to vector<16xf32>
    tpu.vector_store %arg9[%swap3A_241], %swap3A_244 {strides = array<i32>} : memref<1024xf32, #tpu.memory_space<vmem>>, vector<16xf32>,
    %swap3A_245 = arith.constant 432 : index
    %swap3A_246 = tpu.vector_load %arg9[%swap3A_245] {strides = array<i32>} : memref<1024xf32, #tpu.memory_space<vmem>>, vector<16xf32>,
    %swap3A_247 = vector.shape_cast %swap3A_246 : vector<16xf32> to vector<16xf32>
    %swap3A_248 = vector.shape_cast %broadcast_in_dim3A_9 : vector<16xf32> to vector<16xf32>
    tpu.vector_store %arg9[%swap3A_245], %swap3A_248 {strides = array<i32>} : memref<1024xf32, #tpu.memory_space<vmem>>, vector<16xf32>,
    %swap3A_249 = arith.constant 448 : index
    %swap3A_250 = tpu.vector_load %arg9[%swap3A_249] {strides = array<i32>} : memref<1024xf32, #tpu.memory_space<vmem>>, vector<16xf32>,
    %swap3A_251 = vector.shape_cast %swap3A_250 : vector<16xf32> to vector<16xf32>
    %swap3A_252 = vector.shape_cast %broadcast_in_dim3A_9 : vector<16xf32> to vector<16xf32>
    tpu.vector_store %arg9[%swap3A_249], %swap3A_252 {strides = array<i32>} : memref<1024xf32, #tpu.memory_space<vmem>>, vector<16xf32>,
    %swap3A_253 = arith.constant 464 : index
    %swap3A_254 = tpu.vector_load %arg9[%swap3A_253] {strides = array<i32>} : memref<1024xf32, #tpu.memory_space<vmem>>, vector<16xf32>,
    %swap3A_255 = vector.shape_cast %swap3A_254 : vector<16xf32> to vector<16xf32>
    %swap3A_256 = vector.shape_cast %broadcast_in_dim3A_9 : vector<16xf32> to vector<16xf32>
    tpu.vector_store %arg9[%swap3A_253], %swap3A_256 {strides = array<i32>} : memref<1024xf32, #tpu.memory_space<vmem>>, vector<16xf32>,
    %swap3A_257 = arith.constant 480 : index
    %swap3A_258 = tpu.vector_load %arg9[%swap3A_257] {strides = array<i32>} : memref<1024xf32, #tpu.memory_space<vmem>>, vector<16xf32>,
    %swap3A_259 = vector.shape_cast %swap3A_258 : vector<16xf32> to vector<16xf32>
    %swap3A_260 = vector.shape_cast %broadcast_in_dim3A_9 : vector<16xf32> to vector<16xf32>
    tpu.vector_store %arg9[%swap3A_257], %swap3A_260 {strides = array<i32>} : memref<1024xf32, #tpu.memory_space<vmem>>, vector<16xf32>,
    %swap3A_261 = arith.constant 496 : index
    %swap3A_262 = tpu.vector_load %arg9[%swap3A_261] {strides = array<i32>} : memref<1024xf32, #tpu.memory_space<vmem>>, vector<16xf32>,
    %swap3A_263 = vector.shape_cast %swap3A_262 : vector<16xf32> to vector<16xf32>
    %swap3A_264 = vector.shape_cast %broadcast_in_dim3A_9 : vector<16xf32> to vector<16xf32>
    tpu.vector_store %arg9[%swap3A_261], %swap3A_264 {strides = array<i32>} : memref<1024xf32, #tpu.memory_space<vmem>>, vector<16xf32>,
    %swap3A_265 = arith.constant 512 : index
    %swap3A_266 = tpu.vector_load %arg9[%swap3A_265] {strides = array<i32>} : memref<1024xf32, #tpu.memory_space<vmem>>, vector<16xf32>,
    %swap3A_267 = vector.shape_cast %swap3A_266 : vector<16xf32> to vector<16xf32>
    %swap3A_268 = vector.shape_cast %broadcast_in_dim3A_9 : vector<16xf32> to vector<16xf32>
    tpu.vector_store %arg9[%swap3A_265], %swap3A_268 {strides = array<i32>} : memref<1024xf32, #tpu.memory_space<vmem>>, vector<16xf32>,
    %swap3A_269 = arith.constant 528 : index
    %swap3A_270 = tpu.vector_load %arg9[%swap3A_269] {strides = array<i32>} : memref<1024xf32, #tpu.memory_space<vmem>>, vector<16xf32>,
    %swap3A_271 = vector.shape_cast %swap3A_270 : vector<16xf32> to vector<16xf32>
    %swap3A_272 = vector.shape_cast %broadcast_in_dim3A_9 : vector<16xf32> to vector<16xf32>
    tpu.vector_store %arg9[%swap3A_269], %swap3A_272 {strides = array<i32>} : memref<1024xf32, #tpu.memory_space<vmem>>, vector<16xf32>,
    %swap3A_273 = arith.constant 544 : index
    %swap3A_274 = tpu.vector_load %arg9[%swap3A_273] {strides = array<i32>} : memref<1024xf32, #tpu.memory_space<vmem>>, vector<16xf32>,
    %swap3A_275 = vector.shape_cast %swap3A_274 : vector<16xf32> to vector<16xf32>
    %swap3A_276 = vector.shape_cast %broadcast_in_dim3A_9 : vector<16xf32> to vector<16xf32>
    tpu.vector_store %arg9[%swap3A_273], %swap3A_276 {strides = array<i32>} : memref<1024xf32, #tpu.memory_space<vmem>>, vector<16xf32>,
    %swap3A_277 = arith.constant 560 : index
    %swap3A_278 = tpu.vector_load %arg9[%swap3A_277] {strides = array<i32>} : memref<1024xf32, #tpu.memory_space<vmem>>, vector<16xf32>,
    %swap3A_279 = vector.shape_cast %swap3A_278 : vector<16xf32> to vector<16xf32>
    %swap3A_280 = vector.shape_cast %broadcast_in_dim3A_9 : vector<16xf32> to vector<16xf32>
    tpu.vector_store %arg9[%swap3A_277], %swap3A_280 {strides = array<i32>} : memref<1024xf32, #tpu.memory_space<vmem>>, vector<16xf32>,
    %swap3A_281 = arith.constant 576 : index
    %swap3A_282 = tpu.vector_load %arg9[%swap3A_281] {strides = array<i32>} : memref<1024xf32, #tpu.memory_space<vmem>>, vector<16xf32>,
    %swap3A_283 = vector.shape_cast %swap3A_282 : vector<16xf32> to vector<16xf32>
    %swap3A_284 = vector.shape_cast %broadcast_in_dim3A_9 : vector<16xf32> to vector<16xf32>
    tpu.vector_store %arg9[%swap3A_281], %swap3A_284 {strides = array<i32>} : memref<1024xf32, #tpu.memory_space<vmem>>, vector<16xf32>,
    %swap3A_285 = arith.constant 592 : index
    %swap3A_286 = tpu.vector_load %arg9[%swap3A_285] {strides = array<i32>} : memref<1024xf32, #tpu.memory_space<vmem>>, vector<16xf32>,
    %swap3A_287 = vector.shape_cast %swap3A_286 : vector<16xf32> to vector<16xf32>
    %swap3A_288 = vector.shape_cast %broadcast_in_dim3A_9 : vector<16xf32> to vector<16xf32>
    tpu.vector_store %arg9[%swap3A_285], %swap3A_288 {strides = array<i32>} : memref<1024xf32, #tpu.memory_space<vmem>>, vector<16xf32>,
    %swap3A_289 = arith.constant 608 : index
    %swap3A_290 = tpu.vector_load %arg9[%swap3A_289] {strides = array<i32>} : memref<1024xf32, #tpu.memory_space<vmem>>, vector<16xf32>,
    %swap3A_291 = vector.shape_cast %swap3A_290 : vector<16xf32> to vector<16xf32>
    %swap3A_292 = vector.shape_cast %broadcast_in_dim3A_9 : vector<16xf32> to vector<16xf32>
    tpu.vector_store %arg9[%swap3A_289], %swap3A_292 {strides = array<i32>} : memref<1024xf32, #tpu.memory_space<vmem>>, vector<16xf32>,
    %swap3A_293 = arith.constant 624 : index
    %swap3A_294 = tpu.vector_load %arg9[%swap3A_293] {strides = array<i32>} : memref<1024xf32, #tpu.memory_space<vmem>>, vector<16xf32>,
    %swap3A_295 = vector.shape_cast %swap3A_294 : vector<16xf32> to vector<16xf32>
    %swap3A_296 = vector.shape_cast %broadcast_in_dim3A_9 : vector<16xf32> to vector<16xf32>
    tpu.vector_store %arg9[%swap3A_293], %swap3A_296 {strides = array<i32>} : memref<1024xf32, #tpu.memory_space<vmem>>, vector<16xf32>,
    %swap3A_297 = arith.constant 640 : index
    %swap3A_298 = tpu.vector_load %arg9[%swap3A_297] {strides = array<i32>} : memref<1024xf32, #tpu.memory_space<vmem>>, vector<16xf32>,
    %swap3A_299 = vector.shape_cast %swap3A_298 : vector<16xf32> to vector<16xf32>
    %swap3A_300 = vector.shape_cast %broadcast_in_dim3A_9 : vector<16xf32> to vector<16xf32>
    tpu.vector_store %arg9[%swap3A_297], %swap3A_300 {strides = array<i32>} : memref<1024xf32, #tpu.memory_space<vmem>>, vector<16xf32>,
    %swap3A_301 = arith.constant 656 : index
    %swap3A_302 = tpu.vector_load %arg9[%swap3A_301] {strides = array<i32>} : memref<1024xf32, #tpu.memory_space<vmem>>, vector<16xf32>,
    %swap3A_303 = vector.shape_cast %swap3A_302 : vector<16xf32> to vector<16xf32>
    %swap3A_304 = vector.shape_cast %broadcast_in_dim3A_9 : vector<16xf32> to vector<16xf32>
    tpu.vector_store %arg9[%swap3A_301], %swap3A_304 {strides = array<i32>} : memref<1024xf32, #tpu.memory_space<vmem>>, vector<16xf32>,
    %swap3A_305 = arith.constant 672 : index
    %swap3A_306 = tpu.vector_load %arg9[%swap3A_305] {strides = array<i32>} : memref<1024xf32, #tpu.memory_space<vmem>>, vector<16xf32>,
    %swap3A_307 = vector.shape_cast %swap3A_306 : vector<16xf32> to vector<16xf32>
    %swap3A_308 = vector.shape_cast %broadcast_in_dim3A_9 : vector<16xf32> to vector<16xf32>
    tpu.vector_store %arg9[%swap3A_305], %swap3A_308 {strides = array<i32>} : memref<1024xf32, #tpu.memory_space<vmem>>, vector<16xf32>,
    %swap3A_309 = arith.constant 688 : index
    %swap3A_310 = tpu.vector_load %arg9[%swap3A_309] {strides = array<i32>} : memref<1024xf32, #tpu.memory_space<vmem>>, vector<16xf32>,
    %swap3A_311 = vector.shape_cast %swap3A_310 : vector<16xf32> to vector<16xf32>
    %swap3A_312 = vector.shape_cast %broadcast_in_dim3A_9 : vector<16xf32> to vector<16xf32>
    tpu.vector_store %arg9[%swap3A_309], %swap3A_312 {strides = array<i32>} : memref<1024xf32, #tpu.memory_space<vmem>>, vector<16xf32>,
    %swap3A_313 = arith.constant 704 : index
    %swap3A_314 = tpu.vector_load %arg9[%swap3A_313] {strides = array<i32>} : memref<1024xf32, #tpu.memory_space<vmem>>, vector<16xf32>,
    %swap3A_315 = vector.shape_cast %swap3A_314 : vector<16xf32> to vector<16xf32>
    %swap3A_316 = vector.shape_cast %broadcast_in_dim3A_9 : vector<16xf32> to vector<16xf32>
    tpu.vector_store %arg9[%swap3A_313], %swap3A_316 {strides = array<i32>} : memref<1024xf32, #tpu.memory_space<vmem>>, vector<16xf32>,
    %swap3A_317 = arith.constant 720 : index
    %swap3A_318 = tpu.vector_load %arg9[%swap3A_317] {strides = array<i32>} : memref<1024xf32, #tpu.memory_space<vmem>>, vector<16xf32>,
    %swap3A_319 = vector.shape_cast %swap3A_318 : vector<16xf32> to vector<16xf32>
    %swap3A_320 = vector.shape_cast %broadcast_in_dim3A_9 : vector<16xf32> to vector<16xf32>
    tpu.vector_store %arg9[%swap3A_317], %swap3A_320 {strides = array<i32>} : memref<1024xf32, #tpu.memory_space<vmem>>, vector<16xf32>,
    %swap3A_321 = arith.constant 736 : index
    %swap3A_322 = tpu.vector_load %arg9[%swap3A_321] {strides = array<i32>} : memref<1024xf32, #tpu.memory_space<vmem>>, vector<16xf32>,
    %swap3A_323 = vector.shape_cast %swap3A_322 : vector<16xf32> to vector<16xf32>
    %swap3A_324 = vector.shape_cast %broadcast_in_dim3A_9 : vector<16xf32> to vector<16xf32>
    tpu.vector_store %arg9[%swap3A_321], %swap3A_324 {strides = array<i32>} : memref<1024xf32, #tpu.memory_space<vmem>>, vector<16xf32>,
    %swap3A_325 = arith.constant 752 : index
    %swap3A_326 = tpu.vector_load %arg9[%swap3A_325] {strides = array<i32>} : memref<1024xf32, #tpu.memory_space<vmem>>, vector<16xf32>,
    %swap3A_327 = vector.shape_cast %swap3A_326 : vector<16xf32> to vector<16xf32>
    %swap3A_328 = vector.shape_cast %broadcast_in_dim3A_9 : vector<16xf32> to vector<16xf32>
    tpu.vector_store %arg9[%swap3A_325], %swap3A_328 {strides = array<i32>} : memref<1024xf32, #tpu.memory_space<vmem>>, vector<16xf32>,
    %swap3A_329 = arith.constant 768 : index
    %swap3A_330 = tpu.vector_load %arg9[%swap3A_329] {strides = array<i32>} : memref<1024xf32, #tpu.memory_space<vmem>>, vector<16xf32>,
    %swap3A_331 = vector.shape_cast %swap3A_330 : vector<16xf32> to vector<16xf32>
    %swap3A_332 = vector.shape_cast %broadcast_in_dim3A_9 : vector<16xf32> to vector<16xf32>
    tpu.vector_store %arg9[%swap3A_329], %swap3A_332 {strides = array<i32>} : memref<1024xf32, #tpu.memory_space<vmem>>, vector<16xf32>,
    %swap3A_333 = arith.constant 784 : index
    %swap3A_334 = tpu.vector_load %arg9[%swap3A_333] {strides = array<i32>} : memref<1024xf32, #tpu.memory_space<vmem>>, vector<16xf32>,
    %swap3A_335 = vector.shape_cast %swap3A_334 : vector<16xf32> to vector<16xf32>
    %swap3A_336 = vector.shape_cast %broadcast_in_dim3A_9 : vector<16xf32> to vector<16xf32>
    tpu.vector_store %arg9[%swap3A_333], %swap3A_336 {strides = array<i32>} : memref<1024xf32, #tpu.memory_space<vmem>>, vector<16xf32>,
    %swap3A_337 = arith.constant 800 : index
    %swap3A_338 = tpu.vector_load %arg9[%swap3A_337] {strides = array<i32>} : memref<1024xf32, #tpu.memory_space<vmem>>, vector<16xf32>,
    %swap3A_339 = vector.shape_cast %swap3A_338 : vector<16xf32> to vector<16xf32>
    %swap3A_340 = vector.shape_cast %broadcast_in_dim3A_9 : vector<16xf32> to vector<16xf32>
    tpu.vector_store %arg9[%swap3A_337], %swap3A_340 {strides = array<i32>} : memref<1024xf32, #tpu.memory_space<vmem>>, vector<16xf32>,
    %swap3A_341 = arith.constant 816 : index
    %swap3A_342 = tpu.vector_load %arg9[%swap3A_341] {strides = array<i32>} : memref<1024xf32, #tpu.memory_space<vmem>>, vector<16xf32>,
    %swap3A_343 = vector.shape_cast %swap3A_342 : vector<16xf32> to vector<16xf32>
    %swap3A_344 = vector.shape_cast %broadcast_in_dim3A_9 : vector<16xf32> to vector<16xf32>
    tpu.vector_store %arg9[%swap3A_341], %swap3A_344 {strides = array<i32>} : memref<1024xf32, #tpu.memory_space<vmem>>, vector<16xf32>,
    %swap3A_345 = arith.constant 832 : index
    %swap3A_346 = tpu.vector_load %arg9[%swap3A_345] {strides = array<i32>} : memref<1024xf32, #tpu.memory_space<vmem>>, vector<16xf32>,
    %swap3A_347 = vector.shape_cast %swap3A_346 : vector<16xf32> to vector<16xf32>
    %swap3A_348 = vector.shape_cast %broadcast_in_dim3A_9 : vector<16xf32> to vector<16xf32>
    tpu.vector_store %arg9[%swap3A_345], %swap3A_348 {strides = array<i32>} : memref<1024xf32, #tpu.memory_space<vmem>>, vector<16xf32>,
    %swap3A_349 = arith.constant 848 : index
    %swap3A_350 = tpu.vector_load %arg9[%swap3A_349] {strides = array<i32>} : memref<1024xf32, #tpu.memory_space<vmem>>, vector<16xf32>,
    %swap3A_351 = vector.shape_cast %swap3A_350 : vector<16xf32> to vector<16xf32>
    %swap3A_352 = vector.shape_cast %broadcast_in_dim3A_9 : vector<16xf32> to vector<16xf32>
    tpu.vector_store %arg9[%swap3A_349], %swap3A_352 {strides = array<i32>} : memref<1024xf32, #tpu.memory_space<vmem>>, vector<16xf32>,
    %swap3A_353 = arith.constant 864 : index
    %swap3A_354 = tpu.vector_load %arg9[%swap3A_353] {strides = array<i32>} : memref<1024xf32, #tpu.memory_space<vmem>>, vector<16xf32>,
    %swap3A_355 = vector.shape_cast %swap3A_354 : vector<16xf32> to vector<16xf32>
    %swap3A_356 = vector.shape_cast %broadcast_in_dim3A_9 : vector<16xf32> to vector<16xf32>
    tpu.vector_store %arg9[%swap3A_353], %swap3A_356 {strides = array<i32>} : memref<1024xf32, #tpu.memory_space<vmem>>, vector<16xf32>,
    %swap3A_357 = arith.constant 880 : index
    %swap3A_358 = tpu.vector_load %arg9[%swap3A_357] {strides = array<i32>} : memref<1024xf32, #tpu.memory_space<vmem>>, vector<16xf32>,
    %swap3A_359 = vector.shape_cast %swap3A_358 : vector<16xf32> to vector<16xf32>
    %swap3A_360 = vector.shape_cast %broadcast_in_dim3A_9 : vector<16xf32> to vector<16xf32>
    tpu.vector_store %arg9[%swap3A_357], %swap3A_360 {strides = array<i32>} : memref<1024xf32, #tpu.memory_space<vmem>>, vector<16xf32>,
    %swap3A_361 = arith.constant 896 : index
    %swap3A_362 = tpu.vector_load %arg9[%swap3A_361] {strides = array<i32>} : memref<1024xf32, #tpu.memory_space<vmem>>, vector<16xf32>,
    %swap3A_363 = vector.shape_cast %swap3A_362 : vector<16xf32> to vector<16xf32>
    %swap3A_364 = vector.shape_cast %broadcast_in_dim3A_9 : vector<16xf32> to vector<16xf32>
    tpu.vector_store %arg9[%swap3A_361], %swap3A_364 {strides = array<i32>} : memref<1024xf32, #tpu.memory_space<vmem>>, vector<16xf32>,
    %swap3A_365 = arith.constant 912 : index
    %swap3A_366 = tpu.vector_load %arg9[%swap3A_365] {strides = array<i32>} : memref<1024xf32, #tpu.memory_space<vmem>>, vector<16xf32>,
    %swap3A_367 = vector.shape_cast %swap3A_366 : vector<16xf32> to vector<16xf32>
    %swap3A_368 = vector.shape_cast %broadcast_in_dim3A_9 : vector<16xf32> to vector<16xf32>
    tpu.vector_store %arg9[%swap3A_365], %swap3A_368 {strides = array<i32>} : memref<1024xf32, #tpu.memory_space<vmem>>, vector<16xf32>,
    %swap3A_369 = arith.constant 928 : index
    %swap3A_370 = tpu.vector_load %arg9[%swap3A_369] {strides = array<i32>} : memref<1024xf32, #tpu.memory_space<vmem>>, vector<16xf32>,
    %swap3A_371 = vector.shape_cast %swap3A_370 : vector<16xf32> to vector<16xf32>
    %swap3A_372 = vector.shape_cast %broadcast_in_dim3A_9 : vector<16xf32> to vector<16xf32>
    tpu.vector_store %arg9[%swap3A_369], %swap3A_372 {strides = array<i32>} : memref<1024xf32, #tpu.memory_space<vmem>>, vector<16xf32>,
    %swap3A_373 = arith.constant 944 : index
    %swap3A_374 = tpu.vector_load %arg9[%swap3A_373] {strides = array<i32>} : memref<1024xf32, #tpu.memory_space<vmem>>, vector<16xf32>,
    %swap3A_375 = vector.shape_cast %swap3A_374 : vector<16xf32> to vector<16xf32>
    %swap3A_376 = vector.shape_cast %broadcast_in_dim3A_9 : vector<16xf32> to vector<16xf32>
    tpu.vector_store %arg9[%swap3A_373], %swap3A_376 {strides = array<i32>} : memref<1024xf32, #tpu.memory_space<vmem>>, vector<16xf32>,
    %swap3A_377 = arith.constant 960 : index
    %swap3A_378 = tpu.vector_load %arg9[%swap3A_377] {strides = array<i32>} : memref<1024xf32, #tpu.memory_space<vmem>>, vector<16xf32>,
    %swap3A_379 = vector.shape_cast %swap3A_378 : vector<16xf32> to vector<16xf32>
    %swap3A_380 = vector.shape_cast %broadcast_in_dim3A_9 : vector<16xf32> to vector<16xf32>
    tpu.vector_store %arg9[%swap3A_377], %swap3A_380 {strides = array<i32>} : memref<1024xf32, #tpu.memory_space<vmem>>, vector<16xf32>,
    %swap3A_381 = arith.constant 976 : index
    %swap3A_382 = tpu.vector_load %arg9[%swap3A_381] {strides = array<i32>} : memref<1024xf32, #tpu.memory_space<vmem>>, vector<16xf32>,
    %swap3A_383 = vector.shape_cast %swap3A_382 : vector<16xf32> to vector<16xf32>
    %swap3A_384 = vector.shape_cast %broadcast_in_dim3A_9 : vector<16xf32> to vector<16xf32>
    tpu.vector_store %arg9[%swap3A_381], %swap3A_384 {strides = array<i32>} : memref<1024xf32, #tpu.memory_space<vmem>>, vector<16xf32>,
    %swap3A_385 = arith.constant 992 : index
    %swap3A_386 = tpu.vector_load %arg9[%swap3A_385] {strides = array<i32>} : memref<1024xf32, #tpu.memory_space<vmem>>, vector<16xf32>,
    %swap3A_387 = vector.shape_cast %swap3A_386 : vector<16xf32> to vector<16xf32>
    %swap3A_388 = vector.shape_cast %broadcast_in_dim3A_9 : vector<16xf32> to vector<16xf32>
    tpu.vector_store %arg9[%swap3A_385], %swap3A_388 {strides = array<i32>} : memref<1024xf32, #tpu.memory_space<vmem>>, vector<16xf32>,
    %swap3A_389 = arith.constant 1008 : index
    %swap3A_390 = tpu.vector_load %arg9[%swap3A_389] {strides = array<i32>} : memref<1024xf32, #tpu.memory_space<vmem>>, vector<16xf32>,
    %swap3A_391 = vector.shape_cast %swap3A_390 : vector<16xf32> to vector<16xf32>
    %swap3A_392 = vector.shape_cast %broadcast_in_dim3A_9 : vector<16xf32> to vector<16xf32>
    tpu.vector_store %arg9[%swap3A_389], %swap3A_392 {strides = array<i32>} : memref<1024xf32, #tpu.memory_space<vmem>>, vector<16xf32>,
    %eq3A = arith.constant 0 : i32
    %eq3A_393 = arith.cmpi eq, %arg1, %eq3A : i32
    %convert_element_type3A = arith.extui %eq3A_393 : i1 to i32
    %cond3A = arith.constant 0 : i32
    %cond3A_394 = arith.cmpi ne, %convert_element_type3A, %cond3A : i32
    scf.if %cond3A_394 {
      "tpu.region"() ({
        %run_scoped3A = tpu.sem_alloc : memref<!tpu.dma_semaphore, #tpu.memory_space<semaphore_mem>>
        tpu.enqueue_dma source(%arg9 : memref<1024xf32, #tpu.memory_space<vmem>>) target(%arg10 : memref<1024xf32, #tpu.memory_space<vmem_shared>>) target_semaphore(%run_scoped3A : memref<!tpu.dma_semaphore, #tpu.memory_space<semaphore_mem>>)
        tpu.wait_dma2 semaphore(%run_scoped3A : memref<!tpu.dma_semaphore, #tpu.memory_space<semaphore_mem>>) src(%arg9 : memref<1024xf32, #tpu.memory_space<vmem>>) dst(%arg10 : memref<1024xf32, #tpu.memory_space<vmem_shared>>)
        tpu.yield
      }) : () -> ()
    } else {
    }
    %barrier3A = arith.constant 0 : index
    tpu.barrier barrier_id(%barrier3A)
    "tpu.region"() ({
      %run_scoped3A = tpu.sem_alloc : memref<!tpu.dma_semaphore, #tpu.memory_space<semaphore_mem>>
      %dma_start3A_401 = arith.constant 0 : i32
      %dma_start3A_402 = tpu.memref_slice %arg10[%dma_start3A_401] : memref<1024xf32, #tpu.memory_space<vmem_shared>> -> memref<1024xf32, #tpu.memory_space<vmem_shared>>
      tpu.enqueue_indirect_dma source(%arg8 : memref<512xf32, #tpu.memory_space<vmem>>) target(%dma_start3A_402 : memref<1024xf32, #tpu.memory_space<vmem_shared>>) offsets(%arg6 : memref<512xi32, #tpu.memory_space<vmem>>) semaphore(%run_scoped3A : memref<!tpu.dma_semaphore, #tpu.memory_space<semaphore_mem>>) {add = true}
      %dma_wait3A_403 = arith.constant 0 : i32
      %dma_wait3A_404 = tpu.memref_slice %arg10[%dma_wait3A_403] : memref<1024xf32, #tpu.memory_space<vmem_shared>> -> memref<1024xf32, #tpu.memory_space<vmem_shared>>
      tpu.wait_indirect_dma semaphore(%run_scoped3A : memref<!tpu.dma_semaphore, #tpu.memory_space<semaphore_mem>>) src(%arg8 : memref<512xf32, #tpu.memory_space<vmem>>) dst(%dma_wait3A_404 : memref<1024xf32, #tpu.memory_space<vmem_shared>>)
      tpu.yield
    }) : () -> ()
    %barrier3A_395 = arith.constant 0 : index
    tpu.barrier barrier_id(%barrier3A_395)
    %eq3A_396 = arith.constant 0 : i32
    %eq3A_397 = arith.cmpi eq, %arg1, %eq3A_396 : i32
    %convert_element_type3A_398 = arith.extui %eq3A_397 : i1 to i32
    %cond3A_399 = arith.constant 0 : i32
    %cond3A_400 = arith.cmpi ne, %convert_element_type3A_398, %cond3A_399 : i32
    scf.if %cond3A_400 {
      "tpu.region"() ({
        %run_scoped3A = tpu.sem_alloc : memref<!tpu.dma_semaphore, #tpu.memory_space<semaphore_mem>>
        %dma_start3A_401 = arith.constant 0 : i32
        %dma_start3A_402 = tpu.memref_slice %arg5[%arg0, %dma_start3A_401] : memref<2x1024xf32, #tpu.memory_space<hbm>> -> memref<1x1024xf32, #tpu.memory_space<hbm>>
        %dma_start3A_403 = tpu.memref_squeeze %dma_start3A_402 : memref<1x1024xf32, #tpu.memory_space<hbm>> -> memref<1024xf32, #tpu.memory_space<hbm>>
        tpu.enqueue_dma source(%arg10 : memref<1024xf32, #tpu.memory_space<vmem_shared>>) target(%dma_start3A_403 : memref<1024xf32, #tpu.memory_space<hbm>>) target_semaphore(%run_scoped3A : memref<!tpu.dma_semaphore, #tpu.memory_space<semaphore_mem>>)
        %dma_wait3A_404 = arith.constant 0 : i32
        %dma_wait3A_405 = tpu.memref_slice %arg5[%arg0, %dma_wait3A_404] : memref<2x1024xf32, #tpu.memory_space<hbm>> -> memref<1x1024xf32, #tpu.memory_space<hbm>>
        %dma_wait3A_406 = tpu.memref_squeeze %dma_wait3A_405 : memref<1x1024xf32, #tpu.memory_space<hbm>> -> memref<1024xf32, #tpu.memory_space<hbm>>
        tpu.wait_dma2 semaphore(%run_scoped3A : memref<!tpu.dma_semaphore, #tpu.memory_space<semaphore_mem>>) src(%arg10 : memref<1024xf32, #tpu.memory_space<vmem_shared>>) dst(%dma_wait3A_406 : memref<1024xf32, #tpu.memory_space<hbm>>)
        tpu.yield
      }) : () -> ()
    } else {
    }
    return
  }
}

module attributes {stable_mosaic.version = 14 : i64} {
  func.func @_vq_body(%arg0: i32, %arg1: memref<1x1024x64xf32, #tpu.memory_space<vmem>>, %arg2: memref<64x1024xf32, #tpu.memory_space<vmem>>, %arg3: memref<1x1024x1xi32, #tpu.memory_space<vmem>>, %arg4: memref<1x1xf32, #tpu.memory_space<smem>>, %arg5: memref<1x1xf32, #tpu.memory_space<smem>>, %arg6: memref<1024x1024xf32, #tpu.memory_space<vmem>>) attributes {dimension_semantics = [#tpu.dimension_semantics<arbitrary>], iteration_bounds = array<i64: 16>, scalar_prefetch = 0 : i64, scratch_operands = 2 : i64, tpu.core_type = #tpu.core_type<tc>, window_params = [{transform_indices = @transform_0, window_bounds = array<i64: 1, 1024, 64>}, {pipeline_mode = #tpu.pipeline_mode<synchronous>, transform_indices = @transform_1, window_bounds = array<i64: 64, 1024>}, {transform_indices = @transform_2, window_bounds = array<i64: 1, 1024, 1>}, {transform_indices = @transform_3, window_bounds = array<i64: 1, 1>}]} {
    %get3A = arith.constant 0 : index
    %get3A_0 = arith.constant 0 : index
    %get3A_1 = arith.constant 0 : index
    %get3A_2 = vector.load %arg1[%get3A, %get3A_0, %get3A_1] : memref<1x1024x64xf32, #tpu.memory_space<vmem>>, vector<1x1024x64xf32>
    %get3A_3 = vector.shape_cast %get3A_2 : vector<1x1024x64xf32> to vector<1024x64xf32>
    %get3A_4 = arith.constant 0 : index
    %get3A_5 = arith.constant 0 : index
    %get3A_6 = vector.load %arg2[%get3A_4, %get3A_5] : memref<64x1024xf32, #tpu.memory_space<vmem>>, vector<64x1024xf32>
    %eq3A = arith.constant 0 : i32
    %eq3A_7 = arith.cmpi eq, %arg0, %eq3A : i32
    %convert_element_type3A = arith.extui %eq3A_7 : i1 to i32
    %cond3A = arith.constant 0 : i32
    %cond3A_8 = arith.cmpi ne, %convert_element_type3A, %cond3A : i32
    scf.if %cond3A_8 {
      %iota3A = tpu.iota {dimensions = array<i32: 1>} : vector<1024x1024xi32>
      %convert_element_type3A_57 = arith.sitofp %iota3A : vector<1024x1024xi32> to vector<1024x1024xf32>
      %swap3A_58 = arith.constant 0 : index
      %swap3A_59 = arith.constant 0 : index
      %swap3A_60 = vector.load %arg6[%swap3A_58, %swap3A_59] : memref<1024x1024xf32, #tpu.memory_space<vmem>>, vector<1024x1024xf32>
      tpu.vector_store %arg6[%swap3A_58, %swap3A_59], %convert_element_type3A_57 {strides = array<i32>} : memref<1024x1024xf32, #tpu.memory_space<vmem>>, vector<1024x1024xf32>,
    } else {
    }
    %mul3A = arith.mulf %get3A_3, %get3A_3 : vector<1024x64xf32>
    %reduce_sum3A = arith.constant dense<0.000000e+00> : vector<1024xf32>
    %reduce_sum3A_9 = vector.multi_reduction <add>, %mul3A, %reduce_sum3A [1] : vector<1024x64xf32> to vector<1024xf32>
    %broadcast_in_dim3A = vector.shape_cast %reduce_sum3A_9 : vector<1024xf32> to vector<1024x1xf32>
    %mul3A_10 = arith.mulf %get3A_6, %get3A_6 : vector<64x1024xf32>
    %reduce_sum3A_11 = arith.constant dense<0.000000e+00> : vector<1024xf32>
    %reduce_sum3A_12 = vector.multi_reduction <add>, %mul3A_10, %reduce_sum3A_11 [0] : vector<64x1024xf32> to vector<1024xf32>
    %broadcast_in_dim3A_13 = vector.shape_cast %reduce_sum3A_12 : vector<1024xf32> to vector<1x1024xf32>
    %mul3A_14 = arith.constant 2.500000e-01 : f32
    %mul3A_15 = vector.broadcast %mul3A_14 : f32 to vector<1x1024xf32>
    %mul3A_16 = arith.mulf %mul3A_15, %broadcast_in_dim3A_13 : vector<1x1024xf32>
    %dot_general3A = arith.constant dense<0.000000e+00> : vector<1024x1024xf32>
    %dot_general3A_17 = tpu.matmul %get3A_3, %get3A_6, %dot_general3A {dimension_numbers = #tpu.dot_dimension_numbers<[1], [0], [0], [1], [0, 0, 1, 1], [], []>, transpose_lhs_hint = false} : vector<1024x64xf32>, vector<64x1024xf32>, vector<1024x1024xf32> -> vector<1024x1024xf32>
    %add3A = vector.broadcast %broadcast_in_dim3A : vector<1024x1xf32> to vector<1024x1024xf32>
    %add3A_18 = arith.addf %add3A, %dot_general3A_17 : vector<1024x1024xf32>
    %add3A_19 = vector.broadcast %mul3A_16 : vector<1x1024xf32> to vector<1024x1024xf32>
    %add3A_20 = arith.addf %add3A_18, %add3A_19 : vector<1024x1024xf32>
    %reduce_min3A = arith.constant dense<0x7F800000> : vector<1024xf32>
    %reduce_min3A_21 = vector.multi_reduction <minimumf>, %add3A_20, %reduce_min3A [1] : vector<1024x1024xf32> to vector<1024xf32>
    %broadcast_in_dim3A_22 = vector.shape_cast %reduce_min3A_21 : vector<1024xf32> to vector<1024x1xf32>
    %eq3A_23 = vector.broadcast %broadcast_in_dim3A_22 : vector<1024x1xf32> to vector<1024x1024xf32>
    %eq3A_24 = arith.cmpf oeq, %add3A_20, %eq3A_23 : vector<1024x1024xf32>
    %get3A_25 = arith.constant 0 : index
    %get3A_26 = arith.constant 0 : index
    %get3A_27 = vector.load %arg6[%get3A_25, %get3A_26] : memref<1024x1024xf32, #tpu.memory_space<vmem>>, vector<1024x1024xf32>
    %jit3A = arith.constant 2.048000e+03 : f32
    %broadcast_in_dim3A_28 = vector.broadcast %jit3A : f32 to vector<1024x1024xf32>
    %select_n3A = arith.select %eq3A_24, %get3A_27, %broadcast_in_dim3A_28 : vector<1024x1024xi1>, vector<1024x1024xf32>
    %reduce_min3A_29 = arith.constant dense<0x7F800000> : vector<1024xf32>
    %reduce_min3A_30 = vector.multi_reduction <minimumf>, %select_n3A, %reduce_min3A_29 [1] : vector<1024x1024xf32> to vector<1024xf32>
    %broadcast_in_dim3A_31 = vector.shape_cast %reduce_min3A_30 : vector<1024xf32> to vector<1024x1xf32>
    %convert_element_type3A_32 = arith.fptosi %broadcast_in_dim3A_31 : vector<1024x1xf32> to vector<1024x1xi32>
    %swap3A = arith.constant 0 : index
    %swap3A_33 = arith.constant 0 : index
    %swap3A_34 = arith.constant 0 : index
    %swap3A_35 = vector.load %arg3[%swap3A, %swap3A_33, %swap3A_34] : memref<1x1024x1xi32, #tpu.memory_space<vmem>>, vector<1x1024x1xi32>
    %swap3A_36 = vector.shape_cast %swap3A_35 : vector<1x1024x1xi32> to vector<1024x1xi32>
    %swap3A_37 = vector.shape_cast %convert_element_type3A_32 : vector<1024x1xi32> to vector<1x1024x1xi32>
    tpu.vector_store %arg3[%swap3A, %swap3A_33, %swap3A_34], %swap3A_37 {strides = array<i32>} : memref<1x1024x1xi32, #tpu.memory_space<vmem>>, vector<1x1024x1xi32>,
    %reduce_sum3A_38 = vector.shape_cast %broadcast_in_dim3A_22 : vector<1024x1xf32> to vector<1x1024x1xf32>
    %reduce_sum3A_39 = arith.constant dense<0.000000e+00> : vector<1xf32>
    %reduce_sum3A_40 = vector.multi_reduction <add>, %reduce_sum3A_38, %reduce_sum3A_39 [1, 2] : vector<1x1024x1xf32> to vector<1xf32>
    %reduce_sum3A_41 = vector.shape_cast %reduce_sum3A_40 : vector<1xf32> to vector<1x1x1xf32>
    %reduce_sum3A_42 = vector.extract %reduce_sum3A_41[0, 0, 0] : f32 from vector<1x1x1xf32>
    %eq3A_43 = arith.constant 0 : i32
    %eq3A_44 = arith.cmpi eq, %arg0, %eq3A_43 : i32
    %convert_element_type3A_45 = arith.extui %eq3A_44 : i1 to i32
    %cond3A_46 = arith.constant 0 : i32
    %cond3A_47 = arith.cmpi ne, %convert_element_type3A_45, %cond3A_46 : i32
    scf.if %cond3A_47 {
      %swap3A_57 = arith.constant 0 : index
      %swap3A_58 = arith.constant 0 : index
      %swap3A_59 = memref.load %arg5[%swap3A_57, %swap3A_58] : memref<1x1xf32, #tpu.memory_space<smem>>
      memref.store %reduce_sum3A_42, %arg5[%swap3A_57, %swap3A_58] : memref<1x1xf32, #tpu.memory_space<smem>>
    } else {
    }
    %gt3A = arith.constant 0 : i32
    %gt3A_48 = arith.cmpi sgt, %arg0, %gt3A : i32
    %convert_element_type3A_49 = arith.extui %gt3A_48 : i1 to i32
    %cond3A_50 = arith.constant 0 : i32
    %cond3A_51 = arith.cmpi ne, %convert_element_type3A_49, %cond3A_50 : i32
    scf.if %cond3A_51 {
      %get3A_57 = arith.constant 0 : index
      %get3A_58 = arith.constant 0 : index
      %get3A_59 = memref.load %arg5[%get3A_57, %get3A_58] : memref<1x1xf32, #tpu.memory_space<smem>>
      %add3A_60 = arith.addf %get3A_59, %reduce_sum3A_42 : f32
      %swap3A_61 = arith.constant 0 : index
      %swap3A_62 = arith.constant 0 : index
      %swap3A_63 = memref.load %arg5[%swap3A_61, %swap3A_62] : memref<1x1xf32, #tpu.memory_space<smem>>
      memref.store %add3A_60, %arg5[%swap3A_61, %swap3A_62] : memref<1x1xf32, #tpu.memory_space<smem>>
    } else {
    }
    %eq3A_52 = arith.constant 15 : i32
    %eq3A_53 = arith.cmpi eq, %arg0, %eq3A_52 : i32
    %convert_element_type3A_54 = arith.extui %eq3A_53 : i1 to i32
    %cond3A_55 = arith.constant 0 : i32
    %cond3A_56 = arith.cmpi ne, %convert_element_type3A_54, %cond3A_55 : i32
    scf.if %cond3A_56 {
      %get3A_57 = arith.constant 0 : index
      %get3A_58 = arith.constant 0 : index
      %get3A_59 = memref.load %arg5[%get3A_57, %get3A_58] : memref<1x1xf32, #tpu.memory_space<smem>>
      %div3A = arith.constant 0x49800000 : f32
      %div3A_60 = arith.divf %get3A_59, %div3A : f32
      %swap3A_61 = arith.constant 0 : index
      %swap3A_62 = arith.constant 0 : index
      %swap3A_63 = memref.load %arg4[%swap3A_61, %swap3A_62] : memref<1x1xf32, #tpu.memory_space<smem>>
      memref.store %div3A_60, %arg4[%swap3A_61, %swap3A_62] : memref<1x1xf32, #tpu.memory_space<smem>>
    } else {
    }
    return
  }
  func.func @transform_0(%arg0: i32) -> (i32, i32, i32) {
    %c0_i32 = arith.constant 0 : i32
    %c0_i32_0 = arith.constant 0 : i32
    %c0_i32_1 = arith.constant 0 : i32
    return %arg0, %c0_i32, %c0_i32_0 : i32, i32, i32
  }
  func.func @transform_1(%arg0: i32) -> (i32, i32) {
    %c0_i32 = arith.constant 0 : i32
    %c0_i32_0 = arith.constant 0 : i32
    %c0_i32_1 = arith.constant 0 : i32
    return %c0_i32, %c0_i32_0 : i32, i32
  }
  func.func @transform_2(%arg0: i32) -> (i32, i32, i32) {
    %c0_i32 = arith.constant 0 : i32
    %c0_i32_0 = arith.constant 0 : i32
    %c0_i32_1 = arith.constant 0 : i32
    return %arg0, %c0_i32, %c0_i32_0 : i32, i32, i32
  }
  func.func @transform_3(%arg0: i32) -> (i32, i32) {
    %c0_i32 = arith.constant 0 : i32
    %c0_i32_0 = arith.constant 0 : i32
    %c0_i32_1 = arith.constant 0 : i32
    return %c0_i32, %c0_i32_0 : i32, i32
  }
}

module attributes {stable_mosaic.version = 14 : i64} {
  func.func @_ent_body(%arg0: memref<2x1024xf32, #tpu.memory_space<vmem>>, %arg1: memref<1x1xf32, #tpu.memory_space<smem>>) attributes {dimension_semantics = [], scalar_prefetch = 0 : i64, scratch_operands = 0 : i64, tpu.core_type = #tpu.core_type<tc>} {
    %get3A = arith.constant 0 : index
    %get3A_0 = arith.constant 0 : index
    %get3A_1 = vector.load %arg0[%get3A, %get3A_0] : memref<2x1024xf32, #tpu.memory_space<vmem>>, vector<2x1024xf32>
    %reduce_sum3A = arith.constant dense<0.000000e+00> : vector<1024xf32>
    %reduce_sum3A_2 = vector.multi_reduction <add>, %get3A_1, %reduce_sum3A [0] : vector<2x1024xf32> to vector<1024xf32>
    %broadcast_in_dim3A = vector.shape_cast %reduce_sum3A_2 : vector<1024xf32> to vector<1x1024xf32>
    %div3A = arith.constant 1.638400e+04 : f32
    %div3A_3 = vector.broadcast %div3A : f32 to vector<1x1024xf32>
    %div3A_4 = arith.divf %broadcast_in_dim3A, %div3A_3 : vector<1x1024xf32>
    %add3A = arith.constant 1.000000e-10 : f32
    %add3A_5 = vector.broadcast %add3A : f32 to vector<1x1024xf32>
    %add3A_6 = arith.addf %div3A_4, %add3A_5 : vector<1x1024xf32>
    %log3A = math.log %add3A_6 : vector<1x1024xf32>
    %mul3A = arith.mulf %div3A_4, %log3A : vector<1x1024xf32>
    %reduce_sum3A_7 = vector.shape_cast %mul3A : vector<1x1024xf32> to vector<1x1x1024xf32>
    %reduce_sum3A_8 = arith.constant dense<0.000000e+00> : vector<1xf32>
    %reduce_sum3A_9 = vector.multi_reduction <add>, %reduce_sum3A_7, %reduce_sum3A_8 [1, 2] : vector<1x1x1024xf32> to vector<1xf32>
    %reduce_sum3A_10 = vector.shape_cast %reduce_sum3A_9 : vector<1xf32> to vector<1x1x1xf32>
    %reduce_sum3A_11 = vector.extract %reduce_sum3A_10[0, 0, 0] : f32 from vector<1x1x1xf32>
    %neg3A = arith.constant 0.000000e+00 : f32
    %neg3A_12 = arith.subf %neg3A, %reduce_sum3A_11 : f32
    %swap3A = arith.constant 0 : index
    %swap3A_13 = arith.constant 0 : index
    %swap3A_14 = memref.load %arg1[%swap3A, %swap3A_13] : memref<1x1xf32, #tpu.memory_space<smem>>
    memref.store %neg3A_12, %arg1[%swap3A, %swap3A_13] : memref<1x1xf32, #tpu.memory_space<smem>>
    return
  }
}

</mosaic_0001>

<sc_bundles>
// kernel: kernel.5.cloned.1.call-start
scs
__scs_entry_jumppad:
0x0: {  	(pc) =	sbr.rel $0x88, $3  }
0x1: {  	(tag) =	ssettag $0x0;
	lr =	simm.s32 $0x1  }
0x2: {  	[smem:$0x3F9F] =	sst lr;
	_ =	strace $0xD0000000  }
0x3: {  	_ = 	snop  }
0x4: {  	_ = 	snop  }
0x5: {  	_ = 	snop  }
0x6: {  	_ = 	snop  }
0x7: {  	_ = 	snop  }
__scs_overlays_trampoline_lowered:
0x8: {  	[smem:$0x3FAE] =	sst s0  }
0x9: {  	[smem:$0x3FAF] =	sst s1  }
0xa: {  	[smem:$0x3FB0] =	sst s2  }
0xb: {  	[smem:$0x3FB1] =	sst s3  }
0xc: {  	[smem:$0x3FB2] =	sst s4  }
0xd: {  	[smem:$0x3FB3] =	sst s5  }
0xe: {  	[smem:$0x3FB4] =	sst s6  }
0xf: {  	[smem:$0x3FB5] =	sst s7  }
0x10: {  	[smem:$0x3FB6] =	sst s8  }
0x11: {  	[smem:$0x3FB7] =	sst s9;
	s0 =	simm.s32 @!p0 $0x0  }
0x12: {  	s1 =	sld [smem:$0x3F9D];
	s0 =	simm.s32 @p0 $0x1  }
0x13: {  	[smem:$0x3FB8] =	sst s0;
	s0 =	simm.s32 @!p1 $0x0  }
0x14: {  	s2 =	sld [smem:$0x3F9C];
	s0 =	simm.s32 @p1 $0x1  }
0x15: {  	[smem:$0x3FB9] =	sst s0;
	s0 =	simm.s32 @!p2 $0x0  }
0x16: {  	s3 =	sld [smem:$0x3FDB];
	s0 =	simm.s32 @p2 $0x1  }
0x17: {  	s4 =	simm.s32 $0x1BF5;
	[smem:$0x3FBB] =	sst s0  }
0x18: {  	s0 =	sld [smem:$0x3F9E];
	_ =	swait.ge [sflag:s4], $0x0  }
0x19: {  	s7 =	sld [smem:$0x3F9F]  }
0x1a: {  	s8 =	sadd.s32 $0xFFFFE003, lr  }
0x1b: {  	s9 =	sadd.s32 $0xFFFFFEF7, lr;
	s5 =	simm.s32 $0xFFFFFFFF;
	p2 =	slt.u32 s8, $0xFFFFF086  }
0x1c: {  	p1 =	slt.u32 s9, $0xF7A;
	s5 =	simm.s32 @!p2 $0x0  }
0x1d: {  	s5 =	simm.s32 @p1 $0x1;
	p0 =	seq.s32 s7, s2  }
0x1e: {  	s7 =	smul.u32 @!p0 $0xF7A, s2;
	p2 =	seq.s32 @!p0 s5, $0x0  }
0x1f: {  	s9 =	smul.u32 $0xF7A, s1;
	s8 =	simm.s32 @!p0 $0x1BF5;
	p2 =	por !p2, p0  }
0x20: {  	[sflag:s8] =	ssyncset.s32 @!p0 $0xFFFFF086;
	s6 =	sadd.s32 @!p0 s3, s7;
	s7 =	simm.s32 @!p0 $0x108  }
0x21: {  	s3 =	sadd.s32 s3, s9;
	s6 =	sadd.s32 @!p0 $0x88, s6;
	s7 =	simm.s32 @p2 $0x1082  }
0x22: {  	[simem:s7], [sflag:s8] =	dma.local @!p0 [hbm:s6], $0xF7A  }
0x23: {  	s9 =	sor.u32 $0xD0000000, s2;
	s6 =	simm.s32 $0x108;
	_ =	swait.ge @!p0 [sflag:s8], $0x0  }
0x24: {  	s3 =	sadd.s32 $0x88, s3;
	s6 =	simm.s32 @!p1 $0x1082;
	[sflag:s4] =	ssyncset.s32 $0xFFFFF086  }
0x25: {  	[simem:s6], [sflag:s4] =	dma.local [hbm:s3], $0xF7A  }
0x26: {  	[smem:$0x3F9F] =	sst s1;
	(tag) =	ssettag s2;
	_ =	strace s9  }
0x27: {  	s1 =	sld [smem:$0x3FAF]  }
0x28: {  	s2 =	sld [smem:$0x3FB0]  }
0x29: {  	s4 =	sld [smem:$0x3FB2]  }
0x2a: {  	p0 =	seq.s32 s5, $0x0;
	s5 =	sld [smem:$0x3FB3]  }
0x2b: {  	s6 =	sld [smem:$0x3FB4]  }
0x2c: {  	s7 =	sld [smem:$0x3FB5]  }
0x2d: {  	s3 =	simm.s32 $0x108;
	s8 =	sld [smem:$0x3FB6]  }
0x2e: {  	s3 =	simm.s32 @!p0 $0x1082;
	s9 =	sld [smem:$0x3FB7]  }
0x2f: {  	lr =	sadd.s32 s0, s3;
	s0 =	sld [smem:$0x3FAE]  }
0x30: {  	s3 =	sld [smem:$0x3FB1]  }
0x31: {  	[smem:$0x3FBA] =	sst s10  }
0x32: {  	s10 =	sld [smem:$0x3FB8];
	_ =	sdelay $0x3  }
0x33: {  	p0 =	seq.s32 s10, $0x1;
	s10 =	sld [smem:$0x3FBA];
	_ =	sdelay $0x3  }
0x34: {  	[smem:$0x3FBA] =	sst s10  }
0x35: {  	s10 =	sld [smem:$0x3FB9];
	_ =	sdelay $0x3  }
0x36: {  	p1 =	seq.s32 s10, $0x1;
	s10 =	sld [smem:$0x3FBA];
	_ =	sdelay $0x3  }
0x37: {  	[smem:$0x3FBA] =	sst s10  }
0x38: {  	s10 =	sld [smem:$0x3FBB]  }
0x39: {  	_ = 	snop;
	(pc) =	sbr.ind lr, $3  }
0x3a: {  	_ = 	snop  }
0x3b: {  	_ = 	snop  }
0x3c: {  	p2 =	seq.s32 s10, $0x1;
	s10 =	sld [smem:$0x3FBA]  }
0x3d: {  	_ =	shalt  }
0x3e: {  	_ =	shalt  }
0x3f: {  	_ =	shalt  }
0x40: {  	_ =	shalt  }
0x41: {  	_ =	shalt  }
0x42: {  	_ =	shalt  }
0x43: {  	_ =	shalt  }
0x44: {  	_ =	shalt  }
0x45: {  	_ =	shalt  }
0x46: {  	_ =	shalt  }
0x47: {  	_ =	shalt  }
0x48: {  	_ =	shalt  }
0x49: {  	_ =	shalt  }
0x4a: {  	_ =	shalt  }
0x4b: {  	_ =	shalt  }
0x4c: {  	_ =	shalt  }
0x4d: {  	_ =	shalt  }
0x4e: {  	_ =	shalt  }
0x4f: {  	_ =	shalt  }
0x50: {  	_ =	shalt  }
0x51: {  	_ =	shalt  }
0x52: {  	_ =	shalt  }
0x53: {  	_ =	shalt  }
0x54: {  	_ =	shalt  }
0x55: {  	_ =	shalt  }
0x56: {  	_ =	shalt  }
0x57: {  	_ =	shalt  }
0x58: {  	_ =	shalt  }
0x59: {  	_ =	shalt  }
0x5a: {  	_ =	shalt  }
0x5b: {  	_ =	shalt  }
0x5c: {  	_ =	shalt  }
0x5d: {  	_ =	shalt  }
0x5e: {  	_ =	shalt  }
0x5f: {  	_ =	shalt  }
0x60: {  	_ =	shalt  }
0x61: {  	_ =	shalt  }
0x62: {  	_ =	shalt  }
0x63: {  	_ =	shalt  }
0x64: {  	_ =	shalt  }
0x65: {  	_ =	shalt  }
0x66: {  	_ =	shalt  }
0x67: {  	_ =	shalt  }
0x68: {  	_ =	shalt  }
0x69: {  	_ =	shalt  }
0x6a: {  	_ =	shalt  }
0x6b: {  	_ =	shalt  }
0x6c: {  	_ =	shalt  }
0x6d: {  	_ =	shalt  }
0x6e: {  	_ =	shalt  }
0x6f: {  	_ =	shalt  }
0x70: {  	_ =	shalt  }
0x71: {  	_ =	shalt  }
0x72: {  	_ =	shalt  }
0x73: {  	_ =	shalt  }
0x74: {  	_ =	shalt  }
0x75: {  	_ =	shalt  }
0x76: {  	_ =	shalt  }
0x77: {  	_ =	shalt  }
0x78: {  	_ =	shalt  }
0x79: {  	_ =	shalt  }
0x7a: {  	_ =	shalt  }
0x7b: {  	_ =	shalt  }
0x7c: {  	_ =	shalt  }
0x7d: {  	_ =	shalt  }
0x7e: {  	_ =	shalt  }
0x7f: {  	_ =	shalt  }
0x80: {  	_ =	shalt  }
0x81: {  	_ =	shalt  }
0x82: {  	_ =	shalt  }
0x83: {  	_ =	shalt  }
0x84: {  	_ =	shalt  }
0x85: {  	_ =	shalt  }
0x86: {  	_ =	shalt  }
0x87: {  	_ =	shalt  }
.Lfunc_end0:
.L_simem_size_0:
called_computation_lowered:
.L_overlay_start_0:
0x88: {  	s2 =	sld [smem:$0x3FD9]  }
0x89: {  	s3 =	sld [smem:$0x3FFE];
	_ =	sdelay $0x1  }
0x8a: {  	s1 =	srdreg.scid  }
0x8b: {  	s0 =	sand.u32 $0x1, s1  }
0x8c: {  	s14 =	sshll.u32 s0, $0xA;
	s2 =	sadd.s32 s3, s2  }
0x8d: {  	s2 =	sadd.s32 s2, s14  }
0x8e: {  	[smem:$0x3FC6] =	sst s2  }
0x8f: {  	_ = 	snop  }
0x90: {  	s2 =	sld [smem:$0x3FD0];
	_ =	sdelay $0x2  }
0x91: {  	s15 =	simm.s32 $0xA;
	s4 =	simm.s32 $0x10  }
0x92: {  	[smem:s4], [sflag:s15] =	dma.local [hbm:s2], $0x1  }
0x93: {  	_ =	swait.eq [sflag:s15], $0x1  }
0x94: {  	[sflag:s15] =	ssyncset.done $0x0  }
0x95: {  	[sflag:s15] =	ssyncadd.s32 $0xFFFFFFFF  }
0x96: {  	s16 =	sld [smem:$0x10];
	(tm) =	ssettm $0x1  }
0x97: {  	s17 =	sld [smem:$0x3FFB];
	_ =	sdelay $0x3  }
0x98: {  	_ =	strace s17  }
0x99: {  	s3 =	sld [smem:$0x3FFC];
	_ =	sdelay $0x3  }
0x9a: {  	_ =	strace s3  }
0x9b: {  	s3 =	sld [smem:$0x3FFD];
	_ =	sdelay $0x3  }
0x9c: {  	_ =	strace s3  }
0x9d: {  	_ =	strace $0x8FFFFFFF  }
0x9e: {  	s18 =	sld [smem:$0x3FDB];
	_ =	sdelay $0x1  }
0x9f: {  	s19 =	simm.s32 $_scs_section_size  }
0xa0: {  	s5 =	simm.s32 $_size__tile_overlayer_lowered;
	s6 =	simm.s32 $_tile_overlayer_lowered  }
0xa1: {  	s22 =	simm.s32 $0x1BFF;
	s21 =	sshll.u32 s6, $0x1;
	s3 =	sadd.s32 s19, s18  }
0xa2: {  	s7 =	simm.s32 $0x0;
	s20 =	sshll.u32 s5, $0x1;
	s5 =	sadd.s32 s21, s3  }
0xa3: {  	[timem:s7], [sflag:s22] =	dma.local [hbm:s5], s20  }
0xa4: {  	_ =	swait.ge [sflag:s22], s20  }
0xa5: {  	s4 =	ssub.s32 $0x0, s20;
	[sflag:s22] =	ssyncset.done $0x0  }
0xa6: {  	[sflag:s22] =	ssyncadd.s32 s4;
	_ =	sdelay $0x1  }
0xa7: {  	s23 =	simm.s32 $0x1B8B  }
0xa8: {  	_ =	swait.ge [sflag:s23], $0x1  }
0xa9: {  	[sflag:s23] =	ssyncset.done $0x0  }
0xaa: {  	s25 =	simm.s32 $0x1B8E;
	s24 =	sld [smem:$0x3FFE];
	[sflag:s23] =	ssyncadd.s32 $0xFFFFFFFF  }
0xab: {  	s26 =	simm.s32 $execute0_lowered;
	[smem:$0x3FD2] =	sst s25  }
0xac: {  	s5 =	sshll.u32 s26, $0x1;
	_ =	strace $0x80000046;
	[dreg:$0x1] =	wrdreg $0xFFFFFFFF  }
0xad: {  	s28 =	simm.s32 $_size_execute0_lowered;
	s3 =	sadd.s32 s3, s5;
	[dreg:$0x0] =	wrdreg $0x0  }
0xae: {  	s5 =	sshll.u32 s28, $0x1;
	[dreg:$0x2] =	wrdreg s3  }
0xaf: {  	[dreg:$0x3] =	wrdreg s5  }
0xb0: {  	[dreg:$0x4] =	wrdreg $0xC0  }
0xb1: {  	_ =	task [dreg:s7], $0x5FFFF  }
0xb2: {  	[dreg:$0x1] =	wrdreg $0xFFFFFFFF  }
0xb3: {  	[dreg:$0x0] =	wrdreg $0x60  }
0xb4: {  	[dreg:$0x2] =	wrdreg s16  }
0xb5: {  	[dreg:$0x3] =	wrdreg s24  }
0xb6: {  	[dreg:$0x4] =	wrdreg $0x88000  }
0xb7: {  	[dreg:$0x5] =	wrdreg $0x9  }
0xb8: {  	_ =	task.clear_ibuf [dreg:s7], $0x6FFFF;
	_ =	strace $0x90000046  }
0xb9: {  	s29 =	simm.s32 $0x9;
	_ =	strace $0x80000048  }
0xba: {  	_ =	swait.ge [sflag:s29], $0x1  }
0xbb: {  	[sflag:s29] =	ssyncadd.s32 $0xFFFFFFFF  }
0xbc: {  	_ =	strace $0x90000048  }
0xbd: {  	_ =	sfence  }
0xbe: {  	s30 =	sld [smem:$0x0];
	_ =	sdelay $0x2  }
0xbf: {  	s31 =	sshll.u32 s1, $0xD;
	s1 =	sshrl.u32 s1, $0x2  }
0xc0: {  	s3 =	sand.u32 $0x4000, s31;
	s1 =	sadd.s32 s1, s30  }
0xc1: {  	s0 =	sor.u32 s3, s0;
	s1 =	sshll.u32 s1, $0x11  }
0xc2: {  	s0 =	sor.u32 s1, s0  }
0xc3: {  	s0 =	sadd.s32 $0x8F2B, s0  }
0xc4: {  	[sflag:s0] =	ssyncadd.remote.s32 $0x1  }
0xc5: {  	_ =	sfence.sel $0xFFFF  }
0xc6: {  	[dreg:$0x0] =	wrdreg $0xFFFFFFFF;
	(pc) =	sbr.abs _section_cstart, $3  }
0xc7: {  	[dreg:$0x1] =	wrdreg $0xFFFFFFFF  }
0xc8: {  	_ =	task.clear_ibuf [dreg:s7], $0x2FFFF;
	_ =	strace $0x9FFFFFFF  }
0xc9: {  	(tm) =	ssettm $0x7FFFFFFF  }
tec
execute0_lowered:
.L_overlay_start_1:
0x0: {  	(tag) =	ssettag $0x1  }
0x1: {  	s0 =	rddreg [dreg:$0x0]  }
0x2: {  	s1 =	srdreg.scid;
	s4 =	rddreg [dreg:$0x1]  }
0x3: {  	s8 =	stileid.u32;
	s2 =	rddreg [dreg:$0x2]  }
0x4: {  	s3 =	simm.s32 $0x0;
	s5 =	sand.u32 $0x1, s1;
	s1 =	rddreg [dreg:$0x3]  }
0x5: {  	s6 =	sshll.u32 s8, $0xA;
	[smem:$0x7FF] =	sst s3  }
0x6: {  	p0 =	sne.s32 s8, $0x0;
	s8 =	simm.s32 $0x2;
	s7 =	sshll.u32 s5, $0x9  }
0x7: {  	_ =	strace $0x80000047;
	s9 =	ssub.s32 $0x2, s5;
	s5 =	sshll.u32 s5, $0x7  }
0x8: {  	s6 =	sor.u32 s7, s6;
	s10 =	sshrl.u32 s9, $0x1;
	s11 =	sadd.s32 s5, s4  }
0x9: {  	s7 =	sshrl.u32 s6, $0x3;
	s6 =	sshll.u32 s6, $0x3;
	s9 =	ssub.s32 s9, s10  }
0xa: {  	s10 =	simm.s32 $0x1;
	s7 =	sadd.s32 s7, s4;
	s6 =	sadd.s32 s6, s4  }
0xb: {  	s4 =	sadd.s32 $0xA00, s7;
	s5 =	sadd.s32 $0x1400, s6;
	s6 =	sadd.s32 $0x1200, s11  }
0xc: {  	v0 =	vimm.f32 $1.000000000e+00;
	v1 =	vimm.f32 $0.0e+00;
	s7 =	smax.u32 s9, $0x1;
	s9 =	simm.s32 $0x200;
	s11 =	sshrl.u32 @!p0 s2, $0x3  }
.LBB2_1:
0xd: {  	[tilespmem:s3], [sflag:$0x2] =	stream.linear.gather [hbm4b:s4+s3], $0x200, $0x38;
	[tilespmem:$0x8840] =	vst v63  }
0xe: {  	_ =	swait.ge [sflag:s8], $0x200  }
0xf: {  	[sflag:s8] =	ssyncset.done $0x0  }
0x10: {  	[sflag:s8] =	ssyncadd.s32 $0xFFFFFE00  }
0x11: {  	[tilespmem:s9], [sflag:$0x1] =	stream.indirect.gather [hbm4b:s0+s9], $0x40, s3, s9, $0xb8;
	[tilespmem:$0x8840] =	vst v63  }
0x12: {  	_ =	swait.ge [sflag:s10], $0x8000  }
0x13: {  	[sflag:s10] =	ssyncset.done $0x0  }
0x14: {  	[sflag:s10] =	ssyncadd.s32 $0xFFFF8000  }
0x15: {  	[hbm4b:s5+s3] =	stream.linear.scatter [tilespmem:s9], [sflag:$0x2], $0x8000, $0x38;
	[tilespmem:$0x8840] =	vst v63  }
0x16: {  	_ =	swait.ge [sflag:s8], $0x8000  }
0x17: {  	[sflag:s8] =	ssyncset.done $0x0  }
0x18: {  	[sflag:s8] =	ssyncadd.s32 $0xFFFF8000  }
0x19: {  	[tilespmem:$0x8200] =	vst v0  }
0x1a: {  	[tilespmem:$0x8210] =	vst v0  }
0x1b: {  	[tilespmem:$0x8220] =	vst v0  }
0x1c: {  	[tilespmem:$0x8230] =	vst v0  }
0x1d: {  	[tilespmem:$0x8240] =	vst v0  }
0x1e: {  	[tilespmem:$0x8250] =	vst v0  }
0x1f: {  	[tilespmem:$0x8260] =	vst v0  }
0x20: {  	[tilespmem:$0x8270] =	vst v0  }
0x21: {  	[tilespmem:$0x8280] =	vst v0  }
0x22: {  	[tilespmem:$0x8290] =	vst v0  }
0x23: {  	[tilespmem:$0x82A0] =	vst v0  }
0x24: {  	[tilespmem:$0x82B0] =	vst v0  }
0x25: {  	[tilespmem:$0x82C0] =	vst v0  }
0x26: {  	[tilespmem:$0x82D0] =	vst v0  }
0x27: {  	[tilespmem:$0x82E0] =	vst v0  }
0x28: {  	[tilespmem:$0x82F0] =	vst v0  }
0x29: {  	[tilespmem:$0x8300] =	vst v0  }
0x2a: {  	[tilespmem:$0x8310] =	vst v0  }
0x2b: {  	[tilespmem:$0x8320] =	vst v0  }
0x2c: {  	[tilespmem:$0x8330] =	vst v0  }
0x2d: {  	[tilespmem:$0x8340] =	vst v0  }
0x2e: {  	[tilespmem:$0x8350] =	vst v0  }
0x2f: {  	[tilespmem:$0x8360] =	vst v0  }
0x30: {  	[tilespmem:$0x8370] =	vst v0  }
0x31: {  	[tilespmem:$0x8380] =	vst v0  }
0x32: {  	[tilespmem:$0x8390] =	vst v0  }
0x33: {  	[tilespmem:$0x83A0] =	vst v0  }
0x34: {  	[tilespmem:$0x83B0] =	vst v0  }
0x35: {  	[tilespmem:$0x83C0] =	vst v0  }
0x36: {  	[tilespmem:$0x83D0] =	vst v0  }
0x37: {  	[tilespmem:$0x83E0] =	vst v0  }
0x38: {  	[tilespmem:$0x83F0] =	vst v0  }
0x39: {  	[tilespmem:$0x8400] =	vst v1  }
0x3a: {  	[tilespmem:$0x8410] =	vst v1  }
0x3b: {  	[tilespmem:$0x8420] =	vst v1  }
0x3c: {  	[tilespmem:$0x8430] =	vst v1  }
0x3d: {  	[tilespmem:$0x8440] =	vst v1  }
0x3e: {  	[tilespmem:$0x8450] =	vst v1  }
0x3f: {  	[tilespmem:$0x8460] =	vst v1  }
0x40: {  	[tilespmem:$0x8470] =	vst v1  }
0x41: {  	[tilespmem:$0x8480] =	vst v1  }
0x42: {  	[tilespmem:$0x8490] =	vst v1  }
0x43: {  	[tilespmem:$0x84A0] =	vst v1  }
0x44: {  	[tilespmem:$0x84B0] =	vst v1  }
0x45: {  	[tilespmem:$0x84C0] =	vst v1  }
0x46: {  	[tilespmem:$0x84D0] =	vst v1  }
0x47: {  	[tilespmem:$0x84E0] =	vst v1  }
0x48: {  	[tilespmem:$0x84F0] =	vst v1  }
0x49: {  	[tilespmem:$0x8500] =	vst v1  }
0x4a: {  	[tilespmem:$0x8510] =	vst v1  }
0x4b: {  	[tilespmem:$0x8520] =	vst v1  }
0x4c: {  	[tilespmem:$0x8530] =	vst v1  }
0x4d: {  	[tilespmem:$0x8540] =	vst v1  }
0x4e: {  	[tilespmem:$0x8550] =	vst v1  }
0x4f: {  	[tilespmem:$0x8560] =	vst v1  }
0x50: {  	[tilespmem:$0x8570] =	vst v1  }
0x51: {  	[tilespmem:$0x8580] =	vst v1  }
0x52: {  	[tilespmem:$0x8590] =	vst v1  }
0x53: {  	[tilespmem:$0x85A0] =	vst v1  }
0x54: {  	[tilespmem:$0x85B0] =	vst v1  }
0x55: {  	[tilespmem:$0x85C0] =	vst v1  }
0x56: {  	[tilespmem:$0x85D0] =	vst v1  }
0x57: {  	[tilespmem:$0x85E0] =	vst v1  }
0x58: {  	[tilespmem:$0x85F0] =	vst v1  }
0x59: {  	[tilespmem:$0x8600] =	vst v1  }
0x5a: {  	[tilespmem:$0x8610] =	vst v1  }
0x5b: {  	[tilespmem:$0x8620] =	vst v1  }
0x5c: {  	[tilespmem:$0x8630] =	vst v1  }
0x5d: {  	[tilespmem:$0x8640] =	vst v1  }
0x5e: {  	[tilespmem:$0x8650] =	vst v1  }
0x5f: {  	[tilespmem:$0x8660] =	vst v1  }
0x60: {  	[tilespmem:$0x8670] =	vst v1  }
0x61: {  	[tilespmem:$0x8680] =	vst v1  }
0x62: {  	[tilespmem:$0x8690] =	vst v1  }
0x63: {  	[tilespmem:$0x86A0] =	vst v1  }
0x64: {  	[tilespmem:$0x86B0] =	vst v1  }
0x65: {  	[tilespmem:$0x86C0] =	vst v1  }
0x66: {  	[tilespmem:$0x86D0] =	vst v1  }
0x67: {  	[tilespmem:$0x86E0] =	vst v1  }
0x68: {  	[tilespmem:$0x86F0] =	vst v1  }
0x69: {  	[tilespmem:$0x8700] =	vst v1  }
0x6a: {  	[tilespmem:$0x8710] =	vst v1  }
0x6b: {  	[tilespmem:$0x8720] =	vst v1  }
0x6c: {  	[tilespmem:$0x8730] =	vst v1  }
0x6d: {  	[tilespmem:$0x8740] =	vst v1  }
0x6e: {  	[tilespmem:$0x8750] =	vst v1  }
0x6f: {  	[tilespmem:$0x8760] =	vst v1  }
0x70: {  	[tilespmem:$0x8770] =	vst v1  }
0x71: {  	[tilespmem:$0x8780] =	vst v1  }
0x72: {  	[tilespmem:$0x8790] =	vst v1  }
0x73: {  	[tilespmem:$0x87A0] =	vst v1  }
0x74: {  	[tilespmem:$0x87B0] =	vst v1  }
0x75: {  	[tilespmem:$0x87C0] =	vst v1  }
0x76: {  	[tilespmem:$0x87D0] =	vst v1  }
0x77: {  	[tilespmem:$0x87E0] =	vst v1  }
0x78: {  	s12 =	simm.s32 @p0 $0x200;
	[tilespmem:$0x87F0] =	vst v1  }
0x79: {  	s13 =	simm.s32 @p0 $0x0;
	s14 =	simm.s32 @p0 $0x8200;
	[bflag:$0x0] =	sbarrier.arrive @p0 $0xFFFF  }
0x7a: {  	[spmem:s2] =	stream.indirect.scatter.add.f32 @p0 [tilespmem:s14], [sflag:$0x2], $0x1, s13, s12, $0xb8;
	[tilespmem:$0x8840] =	vst v63  }
0x7b: {  	s12 =	simm.s32 @p0 $0x2  }
0x7c: {  	_ =	swait.ge @p0 [sflag:s12], $0x200  }
0x7d: {  	[sflag:s12] =	ssyncset.done @p0 $0x0  }
0x7e: {  	[sflag:s12] =	ssyncadd.s32 @p0 $0xFFFFFE00  }
0x7f: {  	s12 =	simm.s32 @!p0 $0x8400;
	[bflag:$0x0] =	sbarrier.arrive @p0 $0xFFFF  }
0x80: {  	[spmem:s2] =	stream.linear.scatter @!p0 [tilespmem:s12], [sflag:$0x2], $0x400, $0x38;
	[tilespmem:$0x8840] =	vst v63  }
0x81: {  	s12 =	simm.s32 @!p0 $0x2  }
0x82: {  	_ =	swait.ge @!p0 [sflag:s12], $0x400  }
0x83: {  	[sflag:s12] =	ssyncset.done @!p0 $0x0  }
0x84: {  	s15 =	simm.s32 @!p0 $0x8200;
	[sflag:s12] =	ssyncadd.s32 @!p0 $0xFFFFFC00  }
0x85: {  	s13 =	simm.s32 @!p0 $0x200;
	s14 =	simm.s32 @!p0 $0x0;
	[bflag:$0x0] =	sbarrier.arrive @!p0 $0xFFFF  }
0x86: {  	[spmem:s2] =	stream.indirect.scatter.add.f32 @!p0 [tilespmem:s15], [sflag:$0x2], $0x1, s14, s13, $0xb8;
	[tilespmem:$0x8840] =	vst v63  }
0x87: {  	_ =	swait.ge @!p0 [sflag:s12], $0x200  }
0x88: {  	s7 =	sadd.s32 $0xFFFFFFFF, s7;
	[sflag:s12] =	ssyncset.done @!p0 $0x0  }
0x89: {  	p1 =	sne.s32 s7, $0x0;
	[sflag:s12] =	ssyncadd.s32 @!p0 $0xFFFFFE00  }
.Ltmp0:
0x8a: {  	s13 =	simm.s32 @!p0 $0x1C02;
	[bflag:$0x0] =	sbarrier.arrive @!p0 $0xFFFF;
	(pc) =	sbr.rel @p1 .LBB2_1-.Ltmp0, $4  }
0x8b: {  	[hbm:s6], [sflag:s13] =	dma.local @!p0 [spmem:s11], $0x80  }
0x8c: {  	_ =	swait.ge @!p0 [sflag:s12], $0x80  }
0x8d: {  	[sflag:s12] =	ssyncset.done @!p0 $0x0  }
0x8e: {  	[sflag:s12] =	ssyncadd.s32 @!p0 $0xFFFFFF80  }
0x8f: {  	_ =	sfence.sel $0x180000  }
0x90: {  	[bflag:$0x0] =	sbarrier.arrive $0xFFFF  }
0x91: {  	_ =	strace $0x90000047  }
0x92: {  	s0 =	sadd.s32 @!p0 $0x100000, s1;
	[bflag:$0x2] =	sbarrier.arrive $0xFFFF  }
0x93: {  	[sflag:s0] =	ssyncadd.tile.s32 @!p0 $0x1;
	_ =	shalt  }
.Lfunc_end2:
_tile_overlayer_lowered:
.L_overlay_start_2:
0x94: {  	(tag) =	ssettag $0x2  }
0x95: {  	s0 =	rddreg [dreg:$0x0];
	s2 =	stileid.u32  }
0x96: {  	s1 =	rddreg [dreg:$0x1];
	p0 =	sne.s32 s2, $0x0  }
0x97: {  	s3 =	rddreg [dreg:$0x2];
	[bflag:$0x3] =	sbarrier.arrive $0xFFFF;
	s2 =	simm.s32 @!p0 $0x1C02  }
0x98: {  	[timem:s3], [sflag:s2] =	dma.local @!p0 [hbm:s0], s1  }
0x99: {  	s0 =	simm.s32 @!p0 $0x2  }
0x9a: {  	_ =	swait.ge @!p0 [sflag:s0], s1  }
0x9b: {  	s1 =	ssub.s32 @!p0 $0x0, s1;
	[sflag:s0] =	ssyncset.done @!p0 $0x0  }
0x9c: {  	[sflag:s0] =	ssyncadd.s32 @!p0 s1  }
0x9d: {  	[bflag:$0x3] =	sbarrier.arrive $0xFFFF  }
0x9e: {  	_ =	shalt  }

</sc_bundles>
